<compile_context>
chip_gen: v7x
topology: tpu7x:2x2x1
jax: 0.10.2.dev20260603
libtpu: 0.0.44.dev20260713+nightly
codegen_flags: <defaults>
</compile_context>

<pallas_src>
import functools

import jax
import jax.numpy as jnp
from jax import lax
from jax.experimental import pallas as pl
from jax.experimental.pallas import tpu as pltpu
from jax.experimental.pallas import tpu_sc as plsc

NC = 2
NS = 16
NW = NC * NS

RG = 32
NBUF = 2


def _make_emb(BAT, HIST, V, D):
    assert BAT % NW == 0
    rpw = BAT // NW
    assert rpw % RG == 0
    ngrp = rpw // RG

    mesh = plsc.VectorSubcoreMesh(core_axis_name="c", subcore_axis_name="s")

    @functools.partial(
        pl.kernel,
        mesh=mesh,
        out_type=jax.ShapeDtypeStruct((BAT, HIST, D), jnp.float32),
        scratch_types=[
            pltpu.VMEM((rpw, HIST), jnp.int32),
            pltpu.VMEM((NBUF * RG, HIST, D), jnp.float32),
            pltpu.SemaphoreType.DMA((NBUF,)),
            pltpu.SemaphoreType.DMA((NBUF,)),
        ],
        compiler_params=pltpu.CompilerParams(use_tc_tiling_on_sc=False),
    )
    def emb(x_hbm, table_hbm, out_hbm, idx_v, rows_v, gsem, wsem):
        wid = lax.axis_index("s") * NC + lax.axis_index("c")
        base = wid * rpw
        pltpu.sync_copy(x_hbm.at[pl.ds(base, rpw)], idx_v)

        def fire(g, buf):
            for k in range(RG):
                pltpu.async_copy(
                    table_hbm.at[idx_v.at[g * RG + k]],
                    rows_v.at[buf * RG + k],
                    gsem.at[buf],
                )

        fire(0, 0)

        def body(g, _):
            cur = g % 2
            nxt = 1 - cur

            @pl.when(g + 1 < ngrp)
            def _():
                @pl.when(g > 0)
                def _():
                    pltpu.make_async_copy(
                        rows_v.at[pl.ds(nxt * RG, RG)],
                        out_hbm.at[pl.ds(base, RG)],
                        wsem.at[nxt],
                    ).wait()
                fire(g + 1, nxt)

            pltpu.make_async_copy(
                out_hbm.at[pl.ds(0, RG)],
                rows_v.at[pl.ds(cur * RG, RG)],
                gsem.at[cur],
            ).wait()
            pltpu.async_copy(
                rows_v.at[pl.ds(cur * RG, RG)],
                out_hbm.at[pl.ds(base + g * RG, RG)],
                wsem.at[cur],
            )
            return ()

        lax.fori_loop(0, ngrp, body, ())

        for buf in range(NBUF):
            pltpu.make_async_copy(
                rows_v.at[pl.ds(buf * RG, RG)],
                out_hbm.at[pl.ds(base, RG)],
                wsem.at[buf],
            ).wait()

    return emb


def kernel(x, embedding_matrix):
    bat, hist = x.shape
    V, D = embedding_matrix.shape
    return _make_emb(bat, hist, V, D)(x.astype(jnp.int32), embedding_matrix)

# --- scband reference (transcript-rebuilt; emitter-appended) ---
"""Pipeline reference for scband-embedding-layer-32143535243635 (READ-ONLY COPY).

The authoritative reference and input builder live on the scoring server;
editing this copy changes nothing except your own understanding.
"""

import jax, jax.numpy as jnp
import numpy as np

VOCAB = 1000000
EMBED_DIM = 32
BATCH = 16384
HIST = 50

def setup_inputs(seed: int = 0) -> dict:
    key = jax.random.key(seed)
    k_idx, k_tab = jax.random.split(key)
    x = jax.random.randint(k_idx, (BATCH, HIST), 0, VOCAB, dtype=jnp.int64)
    embedding_matrix = jax.random.normal(k_tab, (VOCAB, EMBED_DIM), dtype=jnp.float32)
    return {"x": x, "embedding_matrix": embedding_matrix}

def reference(x, embedding_matrix):
    # torch.nn.Embedding lookup: gather rows of the table by index
    return jnp.take(embedding_matrix, x, axis=0)

if __name__ == "__main__":
    import jax
    _d = setup_inputs()
    print(jax.jit(kernel)(*tuple(_d.values())))

</pallas_src>

<mosaic_0001>
#map = affine_map<(d0, d1) -> (0, 0)>
#map1 = affine_map<(d0, d1) -> (0, 0, 0)>
module attributes {stable_mosaic.version = 14 : i64} {
  func.func @emb(%arg0: i32, %arg1: i32, %arg2: memref<16384x50xi32, #tpu.memory_space<hbm>>, %arg3: memref<1000000x32xf32, #tpu.memory_space<hbm>>, %arg4: memref<16384x50x32xf32, #tpu.memory_space<hbm>>, %arg5: memref<512x50xi32, #tpu.memory_space<vmem>>, %arg6: memref<64x50x32xf32, #tpu.memory_space<vmem>>, %arg7: memref<2x!tpu.dma_semaphore, #tpu.memory_space<semaphore_mem>>, %arg8: memref<2x!tpu.dma_semaphore, #tpu.memory_space<semaphore_mem>>) attributes {dimension_semantics = [#tpu.dimension_semantics<core_parallel>, #tpu.dimension_semantics<subcore_parallel>], iteration_bounds = array<i64: 2, 16>, scalar_prefetch = 0 : i64, scratch_operands = 4 : i64, tpu.core_type = #tpu.core_type<sc_vector_subcore>, window_params = [{transform_indices = #map}, {transform_indices = #map}, {transform_indices = #map1}]} {
    %mul3A = arith.constant 2 : i32
    %mul3A_0 = arith.muli %arg1, %mul3A : i32
    %add3A = arith.addi %mul3A_0, %arg0 : i32
    %mul3A_1 = arith.constant 512 : i32
    %mul3A_2 = arith.muli %add3A, %mul3A_1 : i32
    "tpu.region"() ({
      %run_scoped3A = tpu.sem_alloc : memref<!tpu.dma_semaphore, #tpu.memory_space<semaphore_mem>>
      %dma_start3A_519 = arith.constant 0 : i32
      %dma_start3A_520 = tpu.memref_slice %arg2[%mul3A_2, %dma_start3A_519] : memref<16384x50xi32, #tpu.memory_space<hbm>> -> memref<512x50xi32, #tpu.memory_space<hbm>>
      %dma_start3A_521 = arith.constant 0 : i32
      %dma_start3A_522 = tpu.memref_slice %arg2[%mul3A_2, %dma_start3A_521] : memref<16384x50xi32, #tpu.memory_space<hbm>> -> memref<512x50xi32, #tpu.memory_space<hbm>>
      tpu.enqueue_dma source(%dma_start3A_522 : memref<512x50xi32, #tpu.memory_space<hbm>>) target(%arg5 : memref<512x50xi32, #tpu.memory_space<vmem>>) target_semaphore(%run_scoped3A : memref<!tpu.dma_semaphore, #tpu.memory_space<semaphore_mem>>)
      %dma_wait3A_523 = arith.constant 0 : i32
      %dma_wait3A_524 = tpu.memref_slice %arg2[%mul3A_2, %dma_wait3A_523] : memref<16384x50xi32, #tpu.memory_space<hbm>> -> memref<512x50xi32, #tpu.memory_space<hbm>>
      %dma_wait3A_525 = arith.constant 0 : i32
      %dma_wait3A_526 = tpu.memref_slice %arg2[%mul3A_2, %dma_wait3A_525] : memref<16384x50xi32, #tpu.memory_space<hbm>> -> memref<512x50xi32, #tpu.memory_space<hbm>>
      tpu.wait_dma2 semaphore(%run_scoped3A : memref<!tpu.dma_semaphore, #tpu.memory_space<semaphore_mem>>) src(%dma_wait3A_526 : memref<512x50xi32, #tpu.memory_space<hbm>>) dst(%arg5 : memref<512x50xi32, #tpu.memory_space<vmem>>)
      tpu.yield
    }) : () -> ()
    %dma_start3A = arith.constant 0 : i32
    %dma_start3A_3 = arith.constant 0 : i32
    %dma_start3A_4 = arith.constant 0 : i32
    %dma_start3A_5 = arith.constant 0 : i32
    %dma_start3A_6 = arith.constant 0 : i32
    %dma_start3A_7 = tpu.memref_slice %arg6[%dma_start3A_3, %dma_start3A_5, %dma_start3A_6] : memref<64x50x32xf32, #tpu.memory_space<vmem>> -> memref<1x50x32xf32, #tpu.memory_space<vmem>>
    %dma_start3A_8 = tpu.memref_squeeze %dma_start3A_7 : memref<1x50x32xf32, #tpu.memory_space<vmem>> -> memref<50x32xf32, #tpu.memory_space<vmem>>
    %dma_start3A_9 = arith.constant 0 : i32
    %dma_start3A_10 = tpu.memref_slice %arg5[%dma_start3A, %dma_start3A_9] : memref<512x50xi32, #tpu.memory_space<vmem>> -> memref<1x50xi32, #tpu.memory_space<vmem>>
    %dma_start3A_11 = tpu.memref_squeeze %dma_start3A_10 : memref<1x50xi32, #tpu.memory_space<vmem>> -> memref<50xi32, #tpu.memory_space<vmem>>
    %dma_start3A_12 = arith.constant 0 : i32
    %dma_start3A_13 = arith.constant 0 : i32
    %dma_start3A_14 = tpu.memref_slice %arg3[%dma_start3A_12, %dma_start3A_13] : memref<1000000x32xf32, #tpu.memory_space<hbm>> -> memref<1000000x32xf32, #tpu.memory_space<hbm>>
    %dma_start3A_15 = tpu.memref_slice %arg7[%dma_start3A_4] : memref<2x!tpu.dma_semaphore, #tpu.memory_space<semaphore_mem>> -> memref<1x!tpu.dma_semaphore, #tpu.memory_space<semaphore_mem>>
    %dma_start3A_16 = tpu.memref_squeeze %dma_start3A_15 : memref<1x!tpu.dma_semaphore, #tpu.memory_space<semaphore_mem>> -> memref<!tpu.dma_semaphore, #tpu.memory_space<semaphore_mem>>
    tpu.enqueue_indirect_dma source(%dma_start3A_14 : memref<1000000x32xf32, #tpu.memory_space<hbm>>) target(%dma_start3A_8 : memref<50x32xf32, #tpu.memory_space<vmem>>) offsets(%dma_start3A_11 : memref<50xi32, #tpu.memory_space<vmem>>) semaphore(%dma_start3A_16 : memref<!tpu.dma_semaphore, #tpu.memory_space<semaphore_mem>>)
    %dma_start3A_17 = arith.constant 1 : i32
    %dma_start3A_18 = arith.constant 1 : i32
    %dma_start3A_19 = arith.constant 0 : i32
    %dma_start3A_20 = arith.constant 0 : i32
    %dma_start3A_21 = arith.constant 0 : i32
    %dma_start3A_22 = tpu.memref_slice %arg6[%dma_start3A_18, %dma_start3A_20, %dma_start3A_21] : memref<64x50x32xf32, #tpu.memory_space<vmem>> -> memref<1x50x32xf32, #tpu.memory_space<vmem>>
    %dma_start3A_23 = tpu.memref_squeeze %dma_start3A_22 : memref<1x50x32xf32, #tpu.memory_space<vmem>> -> memref<50x32xf32, #tpu.memory_space<vmem>>
    %dma_start3A_24 = arith.constant 0 : i32
    %dma_start3A_25 = tpu.memref_slice %arg5[%dma_start3A_17, %dma_start3A_24] : memref<512x50xi32, #tpu.memory_space<vmem>> -> memref<1x50xi32, #tpu.memory_space<vmem>>
    %dma_start3A_26 = tpu.memref_squeeze %dma_start3A_25 : memref<1x50xi32, #tpu.memory_space<vmem>> -> memref<50xi32, #tpu.memory_space<vmem>>
    %dma_start3A_27 = arith.constant 0 : i32
    %dma_start3A_28 = arith.constant 0 : i32
    %dma_start3A_29 = tpu.memref_slice %arg3[%dma_start3A_27, %dma_start3A_28] : memref<1000000x32xf32, #tpu.memory_space<hbm>> -> memref<1000000x32xf32, #tpu.memory_space<hbm>>
    %dma_start3A_30 = tpu.memref_slice %arg7[%dma_start3A_19] : memref<2x!tpu.dma_semaphore, #tpu.memory_space<semaphore_mem>> -> memref<1x!tpu.dma_semaphore, #tpu.memory_space<semaphore_mem>>
    %dma_start3A_31 = tpu.memref_squeeze %dma_start3A_30 : memref<1x!tpu.dma_semaphore, #tpu.memory_space<semaphore_mem>> -> memref<!tpu.dma_semaphore, #tpu.memory_space<semaphore_mem>>
    tpu.enqueue_indirect_dma source(%dma_start3A_29 : memref<1000000x32xf32, #tpu.memory_space<hbm>>) target(%dma_start3A_23 : memref<50x32xf32, #tpu.memory_space<vmem>>) offsets(%dma_start3A_26 : memref<50xi32, #tpu.memory_space<vmem>>) semaphore(%dma_start3A_31 : memref<!tpu.dma_semaphore, #tpu.memory_space<semaphore_mem>>)
    %dma_start3A_32 = arith.constant 2 : i32
    %dma_start3A_33 = arith.constant 2 : i32
    %dma_start3A_34 = arith.constant 0 : i32
    %dma_start3A_35 = arith.constant 0 : i32
    %dma_start3A_36 = arith.constant 0 : i32
    %dma_start3A_37 = tpu.memref_slice %arg6[%dma_start3A_33, %dma_start3A_35, %dma_start3A_36] : memref<64x50x32xf32, #tpu.memory_space<vmem>> -> memref<1x50x32xf32, #tpu.memory_space<vmem>>
    %dma_start3A_38 = tpu.memref_squeeze %dma_start3A_37 : memref<1x50x32xf32, #tpu.memory_space<vmem>> -> memref<50x32xf32, #tpu.memory_space<vmem>>
    %dma_start3A_39 = arith.constant 0 : i32
    %dma_start3A_40 = tpu.memref_slice %arg5[%dma_start3A_32, %dma_start3A_39] : memref<512x50xi32, #tpu.memory_space<vmem>> -> memref<1x50xi32, #tpu.memory_space<vmem>>
    %dma_start3A_41 = tpu.memref_squeeze %dma_start3A_40 : memref<1x50xi32, #tpu.memory_space<vmem>> -> memref<50xi32, #tpu.memory_space<vmem>>
    %dma_start3A_42 = arith.constant 0 : i32
    %dma_start3A_43 = arith.constant 0 : i32
    %dma_start3A_44 = tpu.memref_slice %arg3[%dma_start3A_42, %dma_start3A_43] : memref<1000000x32xf32, #tpu.memory_space<hbm>> -> memref<1000000x32xf32, #tpu.memory_space<hbm>>
    %dma_start3A_45 = tpu.memref_slice %arg7[%dma_start3A_34] : memref<2x!tpu.dma_semaphore, #tpu.memory_space<semaphore_mem>> -> memref<1x!tpu.dma_semaphore, #tpu.memory_space<semaphore_mem>>
    %dma_start3A_46 = tpu.memref_squeeze %dma_start3A_45 : memref<1x!tpu.dma_semaphore, #tpu.memory_space<semaphore_mem>> -> memref<!tpu.dma_semaphore, #tpu.memory_space<semaphore_mem>>
    tpu.enqueue_indirect_dma source(%dma_start3A_44 : memref<1000000x32xf32, #tpu.memory_space<hbm>>) target(%dma_start3A_38 : memref<50x32xf32, #tpu.memory_space<vmem>>) offsets(%dma_start3A_41 : memref<50xi32, #tpu.memory_space<vmem>>) semaphore(%dma_start3A_46 : memref<!tpu.dma_semaphore, #tpu.memory_space<semaphore_mem>>)
    %dma_start3A_47 = arith.constant 3 : i32
    %dma_start3A_48 = arith.constant 3 : i32
    %dma_start3A_49 = arith.constant 0 : i32
    %dma_start3A_50 = arith.constant 0 : i32
    %dma_start3A_51 = arith.constant 0 : i32
    %dma_start3A_52 = tpu.memref_slice %arg6[%dma_start3A_48, %dma_start3A_50, %dma_start3A_51] : memref<64x50x32xf32, #tpu.memory_space<vmem>> -> memref<1x50x32xf32, #tpu.memory_space<vmem>>
    %dma_start3A_53 = tpu.memref_squeeze %dma_start3A_52 : memref<1x50x32xf32, #tpu.memory_space<vmem>> -> memref<50x32xf32, #tpu.memory_space<vmem>>
    %dma_start3A_54 = arith.constant 0 : i32
    %dma_start3A_55 = tpu.memref_slice %arg5[%dma_start3A_47, %dma_start3A_54] : memref<512x50xi32, #tpu.memory_space<vmem>> -> memref<1x50xi32, #tpu.memory_space<vmem>>
    %dma_start3A_56 = tpu.memref_squeeze %dma_start3A_55 : memref<1x50xi32, #tpu.memory_space<vmem>> -> memref<50xi32, #tpu.memory_space<vmem>>
    %dma_start3A_57 = arith.constant 0 : i32
    %dma_start3A_58 = arith.constant 0 : i32
    %dma_start3A_59 = tpu.memref_slice %arg3[%dma_start3A_57, %dma_start3A_58] : memref<1000000x32xf32, #tpu.memory_space<hbm>> -> memref<1000000x32xf32, #tpu.memory_space<hbm>>
    %dma_start3A_60 = tpu.memref_slice %arg7[%dma_start3A_49] : memref<2x!tpu.dma_semaphore, #tpu.memory_space<semaphore_mem>> -> memref<1x!tpu.dma_semaphore, #tpu.memory_space<semaphore_mem>>
    %dma_start3A_61 = tpu.memref_squeeze %dma_start3A_60 : memref<1x!tpu.dma_semaphore, #tpu.memory_space<semaphore_mem>> -> memref<!tpu.dma_semaphore, #tpu.memory_space<semaphore_mem>>
    tpu.enqueue_indirect_dma source(%dma_start3A_59 : memref<1000000x32xf32, #tpu.memory_space<hbm>>) target(%dma_start3A_53 : memref<50x32xf32, #tpu.memory_space<vmem>>) offsets(%dma_start3A_56 : memref<50xi32, #tpu.memory_space<vmem>>) semaphore(%dma_start3A_61 : memref<!tpu.dma_semaphore, #tpu.memory_space<semaphore_mem>>)
    %dma_start3A_62 = arith.constant 4 : i32
    %dma_start3A_63 = arith.constant 4 : i32
    %dma_start3A_64 = arith.constant 0 : i32
    %dma_start3A_65 = arith.constant 0 : i32
    %dma_start3A_66 = arith.constant 0 : i32
    %dma_start3A_67 = tpu.memref_slice %arg6[%dma_start3A_63, %dma_start3A_65, %dma_start3A_66] : memref<64x50x32xf32, #tpu.memory_space<vmem>> -> memref<1x50x32xf32, #tpu.memory_space<vmem>>
    %dma_start3A_68 = tpu.memref_squeeze %dma_start3A_67 : memref<1x50x32xf32, #tpu.memory_space<vmem>> -> memref<50x32xf32, #tpu.memory_space<vmem>>
    %dma_start3A_69 = arith.constant 0 : i32
    %dma_start3A_70 = tpu.memref_slice %arg5[%dma_start3A_62, %dma_start3A_69] : memref<512x50xi32, #tpu.memory_space<vmem>> -> memref<1x50xi32, #tpu.memory_space<vmem>>
    %dma_start3A_71 = tpu.memref_squeeze %dma_start3A_70 : memref<1x50xi32, #tpu.memory_space<vmem>> -> memref<50xi32, #tpu.memory_space<vmem>>
    %dma_start3A_72 = arith.constant 0 : i32
    %dma_start3A_73 = arith.constant 0 : i32
    %dma_start3A_74 = tpu.memref_slice %arg3[%dma_start3A_72, %dma_start3A_73] : memref<1000000x32xf32, #tpu.memory_space<hbm>> -> memref<1000000x32xf32, #tpu.memory_space<hbm>>
    %dma_start3A_75 = tpu.memref_slice %arg7[%dma_start3A_64] : memref<2x!tpu.dma_semaphore, #tpu.memory_space<semaphore_mem>> -> memref<1x!tpu.dma_semaphore, #tpu.memory_space<semaphore_mem>>
    %dma_start3A_76 = tpu.memref_squeeze %dma_start3A_75 : memref<1x!tpu.dma_semaphore, #tpu.memory_space<semaphore_mem>> -> memref<!tpu.dma_semaphore, #tpu.memory_space<semaphore_mem>>
    tpu.enqueue_indirect_dma source(%dma_start3A_74 : memref<1000000x32xf32, #tpu.memory_space<hbm>>) target(%dma_start3A_68 : memref<50x32xf32, #tpu.memory_space<vmem>>) offsets(%dma_start3A_71 : memref<50xi32, #tpu.memory_space<vmem>>) semaphore(%dma_start3A_76 : memref<!tpu.dma_semaphore, #tpu.memory_space<semaphore_mem>>)
    %dma_start3A_77 = arith.constant 5 : i32
    %dma_start3A_78 = arith.constant 5 : i32
    %dma_start3A_79 = arith.constant 0 : i32
    %dma_start3A_80 = arith.constant 0 : i32
    %dma_start3A_81 = arith.constant 0 : i32
    %dma_start3A_82 = tpu.memref_slice %arg6[%dma_start3A_78, %dma_start3A_80, %dma_start3A_81] : memref<64x50x32xf32, #tpu.memory_space<vmem>> -> memref<1x50x32xf32, #tpu.memory_space<vmem>>
    %dma_start3A_83 = tpu.memref_squeeze %dma_start3A_82 : memref<1x50x32xf32, #tpu.memory_space<vmem>> -> memref<50x32xf32, #tpu.memory_space<vmem>>
    %dma_start3A_84 = arith.constant 0 : i32
    %dma_start3A_85 = tpu.memref_slice %arg5[%dma_start3A_77, %dma_start3A_84] : memref<512x50xi32, #tpu.memory_space<vmem>> -> memref<1x50xi32, #tpu.memory_space<vmem>>
    %dma_start3A_86 = tpu.memref_squeeze %dma_start3A_85 : memref<1x50xi32, #tpu.memory_space<vmem>> -> memref<50xi32, #tpu.memory_space<vmem>>
    %dma_start3A_87 = arith.constant 0 : i32
    %dma_start3A_88 = arith.constant 0 : i32
    %dma_start3A_89 = tpu.memref_slice %arg3[%dma_start3A_87, %dma_start3A_88] : memref<1000000x32xf32, #tpu.memory_space<hbm>> -> memref<1000000x32xf32, #tpu.memory_space<hbm>>
    %dma_start3A_90 = tpu.memref_slice %arg7[%dma_start3A_79] : memref<2x!tpu.dma_semaphore, #tpu.memory_space<semaphore_mem>> -> memref<1x!tpu.dma_semaphore, #tpu.memory_space<semaphore_mem>>
    %dma_start3A_91 = tpu.memref_squeeze %dma_start3A_90 : memref<1x!tpu.dma_semaphore, #tpu.memory_space<semaphore_mem>> -> memref<!tpu.dma_semaphore, #tpu.memory_space<semaphore_mem>>
    tpu.enqueue_indirect_dma source(%dma_start3A_89 : memref<1000000x32xf32, #tpu.memory_space<hbm>>) target(%dma_start3A_83 : memref<50x32xf32, #tpu.memory_space<vmem>>) offsets(%dma_start3A_86 : memref<50xi32, #tpu.memory_space<vmem>>) semaphore(%dma_start3A_91 : memref<!tpu.dma_semaphore, #tpu.memory_space<semaphore_mem>>)
    %dma_start3A_92 = arith.constant 6 : i32
    %dma_start3A_93 = arith.constant 6 : i32
    %dma_start3A_94 = arith.constant 0 : i32
    %dma_start3A_95 = arith.constant 0 : i32
    %dma_start3A_96 = arith.constant 0 : i32
    %dma_start3A_97 = tpu.memref_slice %arg6[%dma_start3A_93, %dma_start3A_95, %dma_start3A_96] : memref<64x50x32xf32, #tpu.memory_space<vmem>> -> memref<1x50x32xf32, #tpu.memory_space<vmem>>
    %dma_start3A_98 = tpu.memref_squeeze %dma_start3A_97 : memref<1x50x32xf32, #tpu.memory_space<vmem>> -> memref<50x32xf32, #tpu.memory_space<vmem>>
    %dma_start3A_99 = arith.constant 0 : i32
    %dma_start3A_100 = tpu.memref_slice %arg5[%dma_start3A_92, %dma_start3A_99] : memref<512x50xi32, #tpu.memory_space<vmem>> -> memref<1x50xi32, #tpu.memory_space<vmem>>
    %dma_start3A_101 = tpu.memref_squeeze %dma_start3A_100 : memref<1x50xi32, #tpu.memory_space<vmem>> -> memref<50xi32, #tpu.memory_space<vmem>>
    %dma_start3A_102 = arith.constant 0 : i32
    %dma_start3A_103 = arith.constant 0 : i32
    %dma_start3A_104 = tpu.memref_slice %arg3[%dma_start3A_102, %dma_start3A_103] : memref<1000000x32xf32, #tpu.memory_space<hbm>> -> memref<1000000x32xf32, #tpu.memory_space<hbm>>
    %dma_start3A_105 = tpu.memref_slice %arg7[%dma_start3A_94] : memref<2x!tpu.dma_semaphore, #tpu.memory_space<semaphore_mem>> -> memref<1x!tpu.dma_semaphore, #tpu.memory_space<semaphore_mem>>
    %dma_start3A_106 = tpu.memref_squeeze %dma_start3A_105 : memref<1x!tpu.dma_semaphore, #tpu.memory_space<semaphore_mem>> -> memref<!tpu.dma_semaphore, #tpu.memory_space<semaphore_mem>>
    tpu.enqueue_indirect_dma source(%dma_start3A_104 : memref<1000000x32xf32, #tpu.memory_space<hbm>>) target(%dma_start3A_98 : memref<50x32xf32, #tpu.memory_space<vmem>>) offsets(%dma_start3A_101 : memref<50xi32, #tpu.memory_space<vmem>>) semaphore(%dma_start3A_106 : memref<!tpu.dma_semaphore, #tpu.memory_space<semaphore_mem>>)
    %dma_start3A_107 = arith.constant 7 : i32
    %dma_start3A_108 = arith.constant 7 : i32
    %dma_start3A_109 = arith.constant 0 : i32
    %dma_start3A_110 = arith.constant 0 : i32
    %dma_start3A_111 = arith.constant 0 : i32
    %dma_start3A_112 = tpu.memref_slice %arg6[%dma_start3A_108, %dma_start3A_110, %dma_start3A_111] : memref<64x50x32xf32, #tpu.memory_space<vmem>> -> memref<1x50x32xf32, #tpu.memory_space<vmem>>
    %dma_start3A_113 = tpu.memref_squeeze %dma_start3A_112 : memref<1x50x32xf32, #tpu.memory_space<vmem>> -> memref<50x32xf32, #tpu.memory_space<vmem>>
    %dma_start3A_114 = arith.constant 0 : i32
    %dma_start3A_115 = tpu.memref_slice %arg5[%dma_start3A_107, %dma_start3A_114] : memref<512x50xi32, #tpu.memory_space<vmem>> -> memref<1x50xi32, #tpu.memory_space<vmem>>
    %dma_start3A_116 = tpu.memref_squeeze %dma_start3A_115 : memref<1x50xi32, #tpu.memory_space<vmem>> -> memref<50xi32, #tpu.memory_space<vmem>>
    %dma_start3A_117 = arith.constant 0 : i32
    %dma_start3A_118 = arith.constant 0 : i32
    %dma_start3A_119 = tpu.memref_slice %arg3[%dma_start3A_117, %dma_start3A_118] : memref<1000000x32xf32, #tpu.memory_space<hbm>> -> memref<1000000x32xf32, #tpu.memory_space<hbm>>
    %dma_start3A_120 = tpu.memref_slice %arg7[%dma_start3A_109] : memref<2x!tpu.dma_semaphore, #tpu.memory_space<semaphore_mem>> -> memref<1x!tpu.dma_semaphore, #tpu.memory_space<semaphore_mem>>
    %dma_start3A_121 = tpu.memref_squeeze %dma_start3A_120 : memref<1x!tpu.dma_semaphore, #tpu.memory_space<semaphore_mem>> -> memref<!tpu.dma_semaphore, #tpu.memory_space<semaphore_mem>>
    tpu.enqueue_indirect_dma source(%dma_start3A_119 : memref<1000000x32xf32, #tpu.memory_space<hbm>>) target(%dma_start3A_113 : memref<50x32xf32, #tpu.memory_space<vmem>>) offsets(%dma_start3A_116 : memref<50xi32, #tpu.memory_space<vmem>>) semaphore(%dma_start3A_121 : memref<!tpu.dma_semaphore, #tpu.memory_space<semaphore_mem>>)
    %dma_start3A_122 = arith.constant 8 : i32
    %dma_start3A_123 = arith.constant 8 : i32
    %dma_start3A_124 = arith.constant 0 : i32
    %dma_start3A_125 = arith.constant 0 : i32
    %dma_start3A_126 = arith.constant 0 : i32
    %dma_start3A_127 = tpu.memref_slice %arg6[%dma_start3A_123, %dma_start3A_125, %dma_start3A_126] : memref<64x50x32xf32, #tpu.memory_space<vmem>> -> memref<1x50x32xf32, #tpu.memory_space<vmem>>
    %dma_start3A_128 = tpu.memref_squeeze %dma_start3A_127 : memref<1x50x32xf32, #tpu.memory_space<vmem>> -> memref<50x32xf32, #tpu.memory_space<vmem>>
    %dma_start3A_129 = arith.constant 0 : i32
    %dma_start3A_130 = tpu.memref_slice %arg5[%dma_start3A_122, %dma_start3A_129] : memref<512x50xi32, #tpu.memory_space<vmem>> -> memref<1x50xi32, #tpu.memory_space<vmem>>
    %dma_start3A_131 = tpu.memref_squeeze %dma_start3A_130 : memref<1x50xi32, #tpu.memory_space<vmem>> -> memref<50xi32, #tpu.memory_space<vmem>>
    %dma_start3A_132 = arith.constant 0 : i32
    %dma_start3A_133 = arith.constant 0 : i32
    %dma_start3A_134 = tpu.memref_slice %arg3[%dma_start3A_132, %dma_start3A_133] : memref<1000000x32xf32, #tpu.memory_space<hbm>> -> memref<1000000x32xf32, #tpu.memory_space<hbm>>
    %dma_start3A_135 = tpu.memref_slice %arg7[%dma_start3A_124] : memref<2x!tpu.dma_semaphore, #tpu.memory_space<semaphore_mem>> -> memref<1x!tpu.dma_semaphore, #tpu.memory_space<semaphore_mem>>
    %dma_start3A_136 = tpu.memref_squeeze %dma_start3A_135 : memref<1x!tpu.dma_semaphore, #tpu.memory_space<semaphore_mem>> -> memref<!tpu.dma_semaphore, #tpu.memory_space<semaphore_mem>>
    tpu.enqueue_indirect_dma source(%dma_start3A_134 : memref<1000000x32xf32, #tpu.memory_space<hbm>>) target(%dma_start3A_128 : memref<50x32xf32, #tpu.memory_space<vmem>>) offsets(%dma_start3A_131 : memref<50xi32, #tpu.memory_space<vmem>>) semaphore(%dma_start3A_136 : memref<!tpu.dma_semaphore, #tpu.memory_space<semaphore_mem>>)
    %dma_start3A_137 = arith.constant 9 : i32
    %dma_start3A_138 = arith.constant 9 : i32
    %dma_start3A_139 = arith.constant 0 : i32
    %dma_start3A_140 = arith.constant 0 : i32
    %dma_start3A_141 = arith.constant 0 : i32
    %dma_start3A_142 = tpu.memref_slice %arg6[%dma_start3A_138, %dma_start3A_140, %dma_start3A_141] : memref<64x50x32xf32, #tpu.memory_space<vmem>> -> memref<1x50x32xf32, #tpu.memory_space<vmem>>
    %dma_start3A_143 = tpu.memref_squeeze %dma_start3A_142 : memref<1x50x32xf32, #tpu.memory_space<vmem>> -> memref<50x32xf32, #tpu.memory_space<vmem>>
    %dma_start3A_144 = arith.constant 0 : i32
    %dma_start3A_145 = tpu.memref_slice %arg5[%dma_start3A_137, %dma_start3A_144] : memref<512x50xi32, #tpu.memory_space<vmem>> -> memref<1x50xi32, #tpu.memory_space<vmem>>
    %dma_start3A_146 = tpu.memref_squeeze %dma_start3A_145 : memref<1x50xi32, #tpu.memory_space<vmem>> -> memref<50xi32, #tpu.memory_space<vmem>>
    %dma_start3A_147 = arith.constant 0 : i32
    %dma_start3A_148 = arith.constant 0 : i32
    %dma_start3A_149 = tpu.memref_slice %arg3[%dma_start3A_147, %dma_start3A_148] : memref<1000000x32xf32, #tpu.memory_space<hbm>> -> memref<1000000x32xf32, #tpu.memory_space<hbm>>
    %dma_start3A_150 = tpu.memref_slice %arg7[%dma_start3A_139] : memref<2x!tpu.dma_semaphore, #tpu.memory_space<semaphore_mem>> -> memref<1x!tpu.dma_semaphore, #tpu.memory_space<semaphore_mem>>
    %dma_start3A_151 = tpu.memref_squeeze %dma_start3A_150 : memref<1x!tpu.dma_semaphore, #tpu.memory_space<semaphore_mem>> -> memref<!tpu.dma_semaphore, #tpu.memory_space<semaphore_mem>>
    tpu.enqueue_indirect_dma source(%dma_start3A_149 : memref<1000000x32xf32, #tpu.memory_space<hbm>>) target(%dma_start3A_143 : memref<50x32xf32, #tpu.memory_space<vmem>>) offsets(%dma_start3A_146 : memref<50xi32, #tpu.memory_space<vmem>>) semaphore(%dma_start3A_151 : memref<!tpu.dma_semaphore, #tpu.memory_space<semaphore_mem>>)
    %dma_start3A_152 = arith.constant 10 : i32
    %dma_start3A_153 = arith.constant 10 : i32
    %dma_start3A_154 = arith.constant 0 : i32
    %dma_start3A_155 = arith.constant 0 : i32
    %dma_start3A_156 = arith.constant 0 : i32
    %dma_start3A_157 = tpu.memref_slice %arg6[%dma_start3A_153, %dma_start3A_155, %dma_start3A_156] : memref<64x50x32xf32, #tpu.memory_space<vmem>> -> memref<1x50x32xf32, #tpu.memory_space<vmem>>
    %dma_start3A_158 = tpu.memref_squeeze %dma_start3A_157 : memref<1x50x32xf32, #tpu.memory_space<vmem>> -> memref<50x32xf32, #tpu.memory_space<vmem>>
    %dma_start3A_159 = arith.constant 0 : i32
    %dma_start3A_160 = tpu.memref_slice %arg5[%dma_start3A_152, %dma_start3A_159] : memref<512x50xi32, #tpu.memory_space<vmem>> -> memref<1x50xi32, #tpu.memory_space<vmem>>
    %dma_start3A_161 = tpu.memref_squeeze %dma_start3A_160 : memref<1x50xi32, #tpu.memory_space<vmem>> -> memref<50xi32, #tpu.memory_space<vmem>>
    %dma_start3A_162 = arith.constant 0 : i32
    %dma_start3A_163 = arith.constant 0 : i32
    %dma_start3A_164 = tpu.memref_slice %arg3[%dma_start3A_162, %dma_start3A_163] : memref<1000000x32xf32, #tpu.memory_space<hbm>> -> memref<1000000x32xf32, #tpu.memory_space<hbm>>
    %dma_start3A_165 = tpu.memref_slice %arg7[%dma_start3A_154] : memref<2x!tpu.dma_semaphore, #tpu.memory_space<semaphore_mem>> -> memref<1x!tpu.dma_semaphore, #tpu.memory_space<semaphore_mem>>
    %dma_start3A_166 = tpu.memref_squeeze %dma_start3A_165 : memref<1x!tpu.dma_semaphore, #tpu.memory_space<semaphore_mem>> -> memref<!tpu.dma_semaphore, #tpu.memory_space<semaphore_mem>>
    tpu.enqueue_indirect_dma source(%dma_start3A_164 : memref<1000000x32xf32, #tpu.memory_space<hbm>>) target(%dma_start3A_158 : memref<50x32xf32, #tpu.memory_space<vmem>>) offsets(%dma_start3A_161 : memref<50xi32, #tpu.memory_space<vmem>>) semaphore(%dma_start3A_166 : memref<!tpu.dma_semaphore, #tpu.memory_space<semaphore_mem>>)
    %dma_start3A_167 = arith.constant 11 : i32
    %dma_start3A_168 = arith.constant 11 : i32
    %dma_start3A_169 = arith.constant 0 : i32
    %dma_start3A_170 = arith.constant 0 : i32
    %dma_start3A_171 = arith.constant 0 : i32
    %dma_start3A_172 = tpu.memref_slice %arg6[%dma_start3A_168, %dma_start3A_170, %dma_start3A_171] : memref<64x50x32xf32, #tpu.memory_space<vmem>> -> memref<1x50x32xf32, #tpu.memory_space<vmem>>
    %dma_start3A_173 = tpu.memref_squeeze %dma_start3A_172 : memref<1x50x32xf32, #tpu.memory_space<vmem>> -> memref<50x32xf32, #tpu.memory_space<vmem>>
    %dma_start3A_174 = arith.constant 0 : i32
    %dma_start3A_175 = tpu.memref_slice %arg5[%dma_start3A_167, %dma_start3A_174] : memref<512x50xi32, #tpu.memory_space<vmem>> -> memref<1x50xi32, #tpu.memory_space<vmem>>
    %dma_start3A_176 = tpu.memref_squeeze %dma_start3A_175 : memref<1x50xi32, #tpu.memory_space<vmem>> -> memref<50xi32, #tpu.memory_space<vmem>>
    %dma_start3A_177 = arith.constant 0 : i32
    %dma_start3A_178 = arith.constant 0 : i32
    %dma_start3A_179 = tpu.memref_slice %arg3[%dma_start3A_177, %dma_start3A_178] : memref<1000000x32xf32, #tpu.memory_space<hbm>> -> memref<1000000x32xf32, #tpu.memory_space<hbm>>
    %dma_start3A_180 = tpu.memref_slice %arg7[%dma_start3A_169] : memref<2x!tpu.dma_semaphore, #tpu.memory_space<semaphore_mem>> -> memref<1x!tpu.dma_semaphore, #tpu.memory_space<semaphore_mem>>
    %dma_start3A_181 = tpu.memref_squeeze %dma_start3A_180 : memref<1x!tpu.dma_semaphore, #tpu.memory_space<semaphore_mem>> -> memref<!tpu.dma_semaphore, #tpu.memory_space<semaphore_mem>>
    tpu.enqueue_indirect_dma source(%dma_start3A_179 : memref<1000000x32xf32, #tpu.memory_space<hbm>>) target(%dma_start3A_173 : memref<50x32xf32, #tpu.memory_space<vmem>>) offsets(%dma_start3A_176 : memref<50xi32, #tpu.memory_space<vmem>>) semaphore(%dma_start3A_181 : memref<!tpu.dma_semaphore, #tpu.memory_space<semaphore_mem>>)
    %dma_start3A_182 = arith.constant 12 : i32
    %dma_start3A_183 = arith.constant 12 : i32
    %dma_start3A_184 = arith.constant 0 : i32
    %dma_start3A_185 = arith.constant 0 : i32
    %dma_start3A_186 = arith.constant 0 : i32
    %dma_start3A_187 = tpu.memref_slice %arg6[%dma_start3A_183, %dma_start3A_185, %dma_start3A_186] : memref<64x50x32xf32, #tpu.memory_space<vmem>> -> memref<1x50x32xf32, #tpu.memory_space<vmem>>
    %dma_start3A_188 = tpu.memref_squeeze %dma_start3A_187 : memref<1x50x32xf32, #tpu.memory_space<vmem>> -> memref<50x32xf32, #tpu.memory_space<vmem>>
    %dma_start3A_189 = arith.constant 0 : i32
    %dma_start3A_190 = tpu.memref_slice %arg5[%dma_start3A_182, %dma_start3A_189] : memref<512x50xi32, #tpu.memory_space<vmem>> -> memref<1x50xi32, #tpu.memory_space<vmem>>
    %dma_start3A_191 = tpu.memref_squeeze %dma_start3A_190 : memref<1x50xi32, #tpu.memory_space<vmem>> -> memref<50xi32, #tpu.memory_space<vmem>>
    %dma_start3A_192 = arith.constant 0 : i32
    %dma_start3A_193 = arith.constant 0 : i32
    %dma_start3A_194 = tpu.memref_slice %arg3[%dma_start3A_192, %dma_start3A_193] : memref<1000000x32xf32, #tpu.memory_space<hbm>> -> memref<1000000x32xf32, #tpu.memory_space<hbm>>
    %dma_start3A_195 = tpu.memref_slice %arg7[%dma_start3A_184] : memref<2x!tpu.dma_semaphore, #tpu.memory_space<semaphore_mem>> -> memref<1x!tpu.dma_semaphore, #tpu.memory_space<semaphore_mem>>
    %dma_start3A_196 = tpu.memref_squeeze %dma_start3A_195 : memref<1x!tpu.dma_semaphore, #tpu.memory_space<semaphore_mem>> -> memref<!tpu.dma_semaphore, #tpu.memory_space<semaphore_mem>>
    tpu.enqueue_indirect_dma source(%dma_start3A_194 : memref<1000000x32xf32, #tpu.memory_space<hbm>>) target(%dma_start3A_188 : memref<50x32xf32, #tpu.memory_space<vmem>>) offsets(%dma_start3A_191 : memref<50xi32, #tpu.memory_space<vmem>>) semaphore(%dma_start3A_196 : memref<!tpu.dma_semaphore, #tpu.memory_space<semaphore_mem>>)
    %dma_start3A_197 = arith.constant 13 : i32
    %dma_start3A_198 = arith.constant 13 : i32
    %dma_start3A_199 = arith.constant 0 : i32
    %dma_start3A_200 = arith.constant 0 : i32
    %dma_start3A_201 = arith.constant 0 : i32
    %dma_start3A_202 = tpu.memref_slice %arg6[%dma_start3A_198, %dma_start3A_200, %dma_start3A_201] : memref<64x50x32xf32, #tpu.memory_space<vmem>> -> memref<1x50x32xf32, #tpu.memory_space<vmem>>
    %dma_start3A_203 = tpu.memref_squeeze %dma_start3A_202 : memref<1x50x32xf32, #tpu.memory_space<vmem>> -> memref<50x32xf32, #tpu.memory_space<vmem>>
    %dma_start3A_204 = arith.constant 0 : i32
    %dma_start3A_205 = tpu.memref_slice %arg5[%dma_start3A_197, %dma_start3A_204] : memref<512x50xi32, #tpu.memory_space<vmem>> -> memref<1x50xi32, #tpu.memory_space<vmem>>
    %dma_start3A_206 = tpu.memref_squeeze %dma_start3A_205 : memref<1x50xi32, #tpu.memory_space<vmem>> -> memref<50xi32, #tpu.memory_space<vmem>>
    %dma_start3A_207 = arith.constant 0 : i32
    %dma_start3A_208 = arith.constant 0 : i32
    %dma_start3A_209 = tpu.memref_slice %arg3[%dma_start3A_207, %dma_start3A_208] : memref<1000000x32xf32, #tpu.memory_space<hbm>> -> memref<1000000x32xf32, #tpu.memory_space<hbm>>
    %dma_start3A_210 = tpu.memref_slice %arg7[%dma_start3A_199] : memref<2x!tpu.dma_semaphore, #tpu.memory_space<semaphore_mem>> -> memref<1x!tpu.dma_semaphore, #tpu.memory_space<semaphore_mem>>
    %dma_start3A_211 = tpu.memref_squeeze %dma_start3A_210 : memref<1x!tpu.dma_semaphore, #tpu.memory_space<semaphore_mem>> -> memref<!tpu.dma_semaphore, #tpu.memory_space<semaphore_mem>>
    tpu.enqueue_indirect_dma source(%dma_start3A_209 : memref<1000000x32xf32, #tpu.memory_space<hbm>>) target(%dma_start3A_203 : memref<50x32xf32, #tpu.memory_space<vmem>>) offsets(%dma_start3A_206 : memref<50xi32, #tpu.memory_space<vmem>>) semaphore(%dma_start3A_211 : memref<!tpu.dma_semaphore, #tpu.memory_space<semaphore_mem>>)
    %dma_start3A_212 = arith.constant 14 : i32
    %dma_start3A_213 = arith.constant 14 : i32
    %dma_start3A_214 = arith.constant 0 : i32
    %dma_start3A_215 = arith.constant 0 : i32
    %dma_start3A_216 = arith.constant 0 : i32
    %dma_start3A_217 = tpu.memref_slice %arg6[%dma_start3A_213, %dma_start3A_215, %dma_start3A_216] : memref<64x50x32xf32, #tpu.memory_space<vmem>> -> memref<1x50x32xf32, #tpu.memory_space<vmem>>
    %dma_start3A_218 = tpu.memref_squeeze %dma_start3A_217 : memref<1x50x32xf32, #tpu.memory_space<vmem>> -> memref<50x32xf32, #tpu.memory_space<vmem>>
    %dma_start3A_219 = arith.constant 0 : i32
    %dma_start3A_220 = tpu.memref_slice %arg5[%dma_start3A_212, %dma_start3A_219] : memref<512x50xi32, #tpu.memory_space<vmem>> -> memref<1x50xi32, #tpu.memory_space<vmem>>
    %dma_start3A_221 = tpu.memref_squeeze %dma_start3A_220 : memref<1x50xi32, #tpu.memory_space<vmem>> -> memref<50xi32, #tpu.memory_space<vmem>>
    %dma_start3A_222 = arith.constant 0 : i32
    %dma_start3A_223 = arith.constant 0 : i32
    %dma_start3A_224 = tpu.memref_slice %arg3[%dma_start3A_222, %dma_start3A_223] : memref<1000000x32xf32, #tpu.memory_space<hbm>> -> memref<1000000x32xf32, #tpu.memory_space<hbm>>
    %dma_start3A_225 = tpu.memref_slice %arg7[%dma_start3A_214] : memref<2x!tpu.dma_semaphore, #tpu.memory_space<semaphore_mem>> -> memref<1x!tpu.dma_semaphore, #tpu.memory_space<semaphore_mem>>
    %dma_start3A_226 = tpu.memref_squeeze %dma_start3A_225 : memref<1x!tpu.dma_semaphore, #tpu.memory_space<semaphore_mem>> -> memref<!tpu.dma_semaphore, #tpu.memory_space<semaphore_mem>>
    tpu.enqueue_indirect_dma source(%dma_start3A_224 : memref<1000000x32xf32, #tpu.memory_space<hbm>>) target(%dma_start3A_218 : memref<50x32xf32, #tpu.memory_space<vmem>>) offsets(%dma_start3A_221 : memref<50xi32, #tpu.memory_space<vmem>>) semaphore(%dma_start3A_226 : memref<!tpu.dma_semaphore, #tpu.memory_space<semaphore_mem>>)
    %dma_start3A_227 = arith.constant 15 : i32
    %dma_start3A_228 = arith.constant 15 : i32
    %dma_start3A_229 = arith.constant 0 : i32
    %dma_start3A_230 = arith.constant 0 : i32
    %dma_start3A_231 = arith.constant 0 : i32
    %dma_start3A_232 = tpu.memref_slice %arg6[%dma_start3A_228, %dma_start3A_230, %dma_start3A_231] : memref<64x50x32xf32, #tpu.memory_space<vmem>> -> memref<1x50x32xf32, #tpu.memory_space<vmem>>
    %dma_start3A_233 = tpu.memref_squeeze %dma_start3A_232 : memref<1x50x32xf32, #tpu.memory_space<vmem>> -> memref<50x32xf32, #tpu.memory_space<vmem>>
    %dma_start3A_234 = arith.constant 0 : i32
    %dma_start3A_235 = tpu.memref_slice %arg5[%dma_start3A_227, %dma_start3A_234] : memref<512x50xi32, #tpu.memory_space<vmem>> -> memref<1x50xi32, #tpu.memory_space<vmem>>
    %dma_start3A_236 = tpu.memref_squeeze %dma_start3A_235 : memref<1x50xi32, #tpu.memory_space<vmem>> -> memref<50xi32, #tpu.memory_space<vmem>>
    %dma_start3A_237 = arith.constant 0 : i32
    %dma_start3A_238 = arith.constant 0 : i32
    %dma_start3A_239 = tpu.memref_slice %arg3[%dma_start3A_237, %dma_start3A_238] : memref<1000000x32xf32, #tpu.memory_space<hbm>> -> memref<1000000x32xf32, #tpu.memory_space<hbm>>
    %dma_start3A_240 = tpu.memref_slice %arg7[%dma_start3A_229] : memref<2x!tpu.dma_semaphore, #tpu.memory_space<semaphore_mem>> -> memref<1x!tpu.dma_semaphore, #tpu.memory_space<semaphore_mem>>
    %dma_start3A_241 = tpu.memref_squeeze %dma_start3A_240 : memref<1x!tpu.dma_semaphore, #tpu.memory_space<semaphore_mem>> -> memref<!tpu.dma_semaphore, #tpu.memory_space<semaphore_mem>>
    tpu.enqueue_indirect_dma source(%dma_start3A_239 : memref<1000000x32xf32, #tpu.memory_space<hbm>>) target(%dma_start3A_233 : memref<50x32xf32, #tpu.memory_space<vmem>>) offsets(%dma_start3A_236 : memref<50xi32, #tpu.memory_space<vmem>>) semaphore(%dma_start3A_241 : memref<!tpu.dma_semaphore, #tpu.memory_space<semaphore_mem>>)
    %dma_start3A_242 = arith.constant 16 : i32
    %dma_start3A_243 = arith.constant 16 : i32
    %dma_start3A_244 = arith.constant 0 : i32
    %dma_start3A_245 = arith.constant 0 : i32
    %dma_start3A_246 = arith.constant 0 : i32
    %dma_start3A_247 = tpu.memref_slice %arg6[%dma_start3A_243, %dma_start3A_245, %dma_start3A_246] : memref<64x50x32xf32, #tpu.memory_space<vmem>> -> memref<1x50x32xf32, #tpu.memory_space<vmem>>
    %dma_start3A_248 = tpu.memref_squeeze %dma_start3A_247 : memref<1x50x32xf32, #tpu.memory_space<vmem>> -> memref<50x32xf32, #tpu.memory_space<vmem>>
    %dma_start3A_249 = arith.constant 0 : i32
    %dma_start3A_250 = tpu.memref_slice %arg5[%dma_start3A_242, %dma_start3A_249] : memref<512x50xi32, #tpu.memory_space<vmem>> -> memref<1x50xi32, #tpu.memory_space<vmem>>
    %dma_start3A_251 = tpu.memref_squeeze %dma_start3A_250 : memref<1x50xi32, #tpu.memory_space<vmem>> -> memref<50xi32, #tpu.memory_space<vmem>>
    %dma_start3A_252 = arith.constant 0 : i32
    %dma_start3A_253 = arith.constant 0 : i32
    %dma_start3A_254 = tpu.memref_slice %arg3[%dma_start3A_252, %dma_start3A_253] : memref<1000000x32xf32, #tpu.memory_space<hbm>> -> memref<1000000x32xf32, #tpu.memory_space<hbm>>
    %dma_start3A_255 = tpu.memref_slice %arg7[%dma_start3A_244] : memref<2x!tpu.dma_semaphore, #tpu.memory_space<semaphore_mem>> -> memref<1x!tpu.dma_semaphore, #tpu.memory_space<semaphore_mem>>
    %dma_start3A_256 = tpu.memref_squeeze %dma_start3A_255 : memref<1x!tpu.dma_semaphore, #tpu.memory_space<semaphore_mem>> -> memref<!tpu.dma_semaphore, #tpu.memory_space<semaphore_mem>>
    tpu.enqueue_indirect_dma source(%dma_start3A_254 : memref<1000000x32xf32, #tpu.memory_space<hbm>>) target(%dma_start3A_248 : memref<50x32xf32, #tpu.memory_space<vmem>>) offsets(%dma_start3A_251 : memref<50xi32, #tpu.memory_space<vmem>>) semaphore(%dma_start3A_256 : memref<!tpu.dma_semaphore, #tpu.memory_space<semaphore_mem>>)
    %dma_start3A_257 = arith.constant 17 : i32
    %dma_start3A_258 = arith.constant 17 : i32
    %dma_start3A_259 = arith.constant 0 : i32
    %dma_start3A_260 = arith.constant 0 : i32
    %dma_start3A_261 = arith.constant 0 : i32
    %dma_start3A_262 = tpu.memref_slice %arg6[%dma_start3A_258, %dma_start3A_260, %dma_start3A_261] : memref<64x50x32xf32, #tpu.memory_space<vmem>> -> memref<1x50x32xf32, #tpu.memory_space<vmem>>
    %dma_start3A_263 = tpu.memref_squeeze %dma_start3A_262 : memref<1x50x32xf32, #tpu.memory_space<vmem>> -> memref<50x32xf32, #tpu.memory_space<vmem>>
    %dma_start3A_264 = arith.constant 0 : i32
    %dma_start3A_265 = tpu.memref_slice %arg5[%dma_start3A_257, %dma_start3A_264] : memref<512x50xi32, #tpu.memory_space<vmem>> -> memref<1x50xi32, #tpu.memory_space<vmem>>
    %dma_start3A_266 = tpu.memref_squeeze %dma_start3A_265 : memref<1x50xi32, #tpu.memory_space<vmem>> -> memref<50xi32, #tpu.memory_space<vmem>>
    %dma_start3A_267 = arith.constant 0 : i32
    %dma_start3A_268 = arith.constant 0 : i32
    %dma_start3A_269 = tpu.memref_slice %arg3[%dma_start3A_267, %dma_start3A_268] : memref<1000000x32xf32, #tpu.memory_space<hbm>> -> memref<1000000x32xf32, #tpu.memory_space<hbm>>
    %dma_start3A_270 = tpu.memref_slice %arg7[%dma_start3A_259] : memref<2x!tpu.dma_semaphore, #tpu.memory_space<semaphore_mem>> -> memref<1x!tpu.dma_semaphore, #tpu.memory_space<semaphore_mem>>
    %dma_start3A_271 = tpu.memref_squeeze %dma_start3A_270 : memref<1x!tpu.dma_semaphore, #tpu.memory_space<semaphore_mem>> -> memref<!tpu.dma_semaphore, #tpu.memory_space<semaphore_mem>>
    tpu.enqueue_indirect_dma source(%dma_start3A_269 : memref<1000000x32xf32, #tpu.memory_space<hbm>>) target(%dma_start3A_263 : memref<50x32xf32, #tpu.memory_space<vmem>>) offsets(%dma_start3A_266 : memref<50xi32, #tpu.memory_space<vmem>>) semaphore(%dma_start3A_271 : memref<!tpu.dma_semaphore, #tpu.memory_space<semaphore_mem>>)
    %dma_start3A_272 = arith.constant 18 : i32
    %dma_start3A_273 = arith.constant 18 : i32
    %dma_start3A_274 = arith.constant 0 : i32
    %dma_start3A_275 = arith.constant 0 : i32
    %dma_start3A_276 = arith.constant 0 : i32
    %dma_start3A_277 = tpu.memref_slice %arg6[%dma_start3A_273, %dma_start3A_275, %dma_start3A_276] : memref<64x50x32xf32, #tpu.memory_space<vmem>> -> memref<1x50x32xf32, #tpu.memory_space<vmem>>
    %dma_start3A_278 = tpu.memref_squeeze %dma_start3A_277 : memref<1x50x32xf32, #tpu.memory_space<vmem>> -> memref<50x32xf32, #tpu.memory_space<vmem>>
    %dma_start3A_279 = arith.constant 0 : i32
    %dma_start3A_280 = tpu.memref_slice %arg5[%dma_start3A_272, %dma_start3A_279] : memref<512x50xi32, #tpu.memory_space<vmem>> -> memref<1x50xi32, #tpu.memory_space<vmem>>
    %dma_start3A_281 = tpu.memref_squeeze %dma_start3A_280 : memref<1x50xi32, #tpu.memory_space<vmem>> -> memref<50xi32, #tpu.memory_space<vmem>>
    %dma_start3A_282 = arith.constant 0 : i32
    %dma_start3A_283 = arith.constant 0 : i32
    %dma_start3A_284 = tpu.memref_slice %arg3[%dma_start3A_282, %dma_start3A_283] : memref<1000000x32xf32, #tpu.memory_space<hbm>> -> memref<1000000x32xf32, #tpu.memory_space<hbm>>
    %dma_start3A_285 = tpu.memref_slice %arg7[%dma_start3A_274] : memref<2x!tpu.dma_semaphore, #tpu.memory_space<semaphore_mem>> -> memref<1x!tpu.dma_semaphore, #tpu.memory_space<semaphore_mem>>
    %dma_start3A_286 = tpu.memref_squeeze %dma_start3A_285 : memref<1x!tpu.dma_semaphore, #tpu.memory_space<semaphore_mem>> -> memref<!tpu.dma_semaphore, #tpu.memory_space<semaphore_mem>>
    tpu.enqueue_indirect_dma source(%dma_start3A_284 : memref<1000000x32xf32, #tpu.memory_space<hbm>>) target(%dma_start3A_278 : memref<50x32xf32, #tpu.memory_space<vmem>>) offsets(%dma_start3A_281 : memref<50xi32, #tpu.memory_space<vmem>>) semaphore(%dma_start3A_286 : memref<!tpu.dma_semaphore, #tpu.memory_space<semaphore_mem>>)
    %dma_start3A_287 = arith.constant 19 : i32
    %dma_start3A_288 = arith.constant 19 : i32
    %dma_start3A_289 = arith.constant 0 : i32
    %dma_start3A_290 = arith.constant 0 : i32
    %dma_start3A_291 = arith.constant 0 : i32
    %dma_start3A_292 = tpu.memref_slice %arg6[%dma_start3A_288, %dma_start3A_290, %dma_start3A_291] : memref<64x50x32xf32, #tpu.memory_space<vmem>> -> memref<1x50x32xf32, #tpu.memory_space<vmem>>
    %dma_start3A_293 = tpu.memref_squeeze %dma_start3A_292 : memref<1x50x32xf32, #tpu.memory_space<vmem>> -> memref<50x32xf32, #tpu.memory_space<vmem>>
    %dma_start3A_294 = arith.constant 0 : i32
    %dma_start3A_295 = tpu.memref_slice %arg5[%dma_start3A_287, %dma_start3A_294] : memref<512x50xi32, #tpu.memory_space<vmem>> -> memref<1x50xi32, #tpu.memory_space<vmem>>
    %dma_start3A_296 = tpu.memref_squeeze %dma_start3A_295 : memref<1x50xi32, #tpu.memory_space<vmem>> -> memref<50xi32, #tpu.memory_space<vmem>>
    %dma_start3A_297 = arith.constant 0 : i32
    %dma_start3A_298 = arith.constant 0 : i32
    %dma_start3A_299 = tpu.memref_slice %arg3[%dma_start3A_297, %dma_start3A_298] : memref<1000000x32xf32, #tpu.memory_space<hbm>> -> memref<1000000x32xf32, #tpu.memory_space<hbm>>
    %dma_start3A_300 = tpu.memref_slice %arg7[%dma_start3A_289] : memref<2x!tpu.dma_semaphore, #tpu.memory_space<semaphore_mem>> -> memref<1x!tpu.dma_semaphore, #tpu.memory_space<semaphore_mem>>
    %dma_start3A_301 = tpu.memref_squeeze %dma_start3A_300 : memref<1x!tpu.dma_semaphore, #tpu.memory_space<semaphore_mem>> -> memref<!tpu.dma_semaphore, #tpu.memory_space<semaphore_mem>>
    tpu.enqueue_indirect_dma source(%dma_start3A_299 : memref<1000000x32xf32, #tpu.memory_space<hbm>>) target(%dma_start3A_293 : memref<50x32xf32, #tpu.memory_space<vmem>>) offsets(%dma_start3A_296 : memref<50xi32, #tpu.memory_space<vmem>>) semaphore(%dma_start3A_301 : memref<!tpu.dma_semaphore, #tpu.memory_space<semaphore_mem>>)
    %dma_start3A_302 = arith.constant 20 : i32
    %dma_start3A_303 = arith.constant 20 : i32
    %dma_start3A_304 = arith.constant 0 : i32
    %dma_start3A_305 = arith.constant 0 : i32
    %dma_start3A_306 = arith.constant 0 : i32
    %dma_start3A_307 = tpu.memref_slice %arg6[%dma_start3A_303, %dma_start3A_305, %dma_start3A_306] : memref<64x50x32xf32, #tpu.memory_space<vmem>> -> memref<1x50x32xf32, #tpu.memory_space<vmem>>
    %dma_start3A_308 = tpu.memref_squeeze %dma_start3A_307 : memref<1x50x32xf32, #tpu.memory_space<vmem>> -> memref<50x32xf32, #tpu.memory_space<vmem>>
    %dma_start3A_309 = arith.constant 0 : i32
    %dma_start3A_310 = tpu.memref_slice %arg5[%dma_start3A_302, %dma_start3A_309] : memref<512x50xi32, #tpu.memory_space<vmem>> -> memref<1x50xi32, #tpu.memory_space<vmem>>
    %dma_start3A_311 = tpu.memref_squeeze %dma_start3A_310 : memref<1x50xi32, #tpu.memory_space<vmem>> -> memref<50xi32, #tpu.memory_space<vmem>>
    %dma_start3A_312 = arith.constant 0 : i32
    %dma_start3A_313 = arith.constant 0 : i32
    %dma_start3A_314 = tpu.memref_slice %arg3[%dma_start3A_312, %dma_start3A_313] : memref<1000000x32xf32, #tpu.memory_space<hbm>> -> memref<1000000x32xf32, #tpu.memory_space<hbm>>
    %dma_start3A_315 = tpu.memref_slice %arg7[%dma_start3A_304] : memref<2x!tpu.dma_semaphore, #tpu.memory_space<semaphore_mem>> -> memref<1x!tpu.dma_semaphore, #tpu.memory_space<semaphore_mem>>
    %dma_start3A_316 = tpu.memref_squeeze %dma_start3A_315 : memref<1x!tpu.dma_semaphore, #tpu.memory_space<semaphore_mem>> -> memref<!tpu.dma_semaphore, #tpu.memory_space<semaphore_mem>>
    tpu.enqueue_indirect_dma source(%dma_start3A_314 : memref<1000000x32xf32, #tpu.memory_space<hbm>>) target(%dma_start3A_308 : memref<50x32xf32, #tpu.memory_space<vmem>>) offsets(%dma_start3A_311 : memref<50xi32, #tpu.memory_space<vmem>>) semaphore(%dma_start3A_316 : memref<!tpu.dma_semaphore, #tpu.memory_space<semaphore_mem>>)
    %dma_start3A_317 = arith.constant 21 : i32
    %dma_start3A_318 = arith.constant 21 : i32
    %dma_start3A_319 = arith.constant 0 : i32
    %dma_start3A_320 = arith.constant 0 : i32
    %dma_start3A_321 = arith.constant 0 : i32
    %dma_start3A_322 = tpu.memref_slice %arg6[%dma_start3A_318, %dma_start3A_320, %dma_start3A_321] : memref<64x50x32xf32, #tpu.memory_space<vmem>> -> memref<1x50x32xf32, #tpu.memory_space<vmem>>
    %dma_start3A_323 = tpu.memref_squeeze %dma_start3A_322 : memref<1x50x32xf32, #tpu.memory_space<vmem>> -> memref<50x32xf32, #tpu.memory_space<vmem>>
    %dma_start3A_324 = arith.constant 0 : i32
    %dma_start3A_325 = tpu.memref_slice %arg5[%dma_start3A_317, %dma_start3A_324] : memref<512x50xi32, #tpu.memory_space<vmem>> -> memref<1x50xi32, #tpu.memory_space<vmem>>
    %dma_start3A_326 = tpu.memref_squeeze %dma_start3A_325 : memref<1x50xi32, #tpu.memory_space<vmem>> -> memref<50xi32, #tpu.memory_space<vmem>>
    %dma_start3A_327 = arith.constant 0 : i32
    %dma_start3A_328 = arith.constant 0 : i32
    %dma_start3A_329 = tpu.memref_slice %arg3[%dma_start3A_327, %dma_start3A_328] : memref<1000000x32xf32, #tpu.memory_space<hbm>> -> memref<1000000x32xf32, #tpu.memory_space<hbm>>
    %dma_start3A_330 = tpu.memref_slice %arg7[%dma_start3A_319] : memref<2x!tpu.dma_semaphore, #tpu.memory_space<semaphore_mem>> -> memref<1x!tpu.dma_semaphore, #tpu.memory_space<semaphore_mem>>
    %dma_start3A_331 = tpu.memref_squeeze %dma_start3A_330 : memref<1x!tpu.dma_semaphore, #tpu.memory_space<semaphore_mem>> -> memref<!tpu.dma_semaphore, #tpu.memory_space<semaphore_mem>>
    tpu.enqueue_indirect_dma source(%dma_start3A_329 : memref<1000000x32xf32, #tpu.memory_space<hbm>>) target(%dma_start3A_323 : memref<50x32xf32, #tpu.memory_space<vmem>>) offsets(%dma_start3A_326 : memref<50xi32, #tpu.memory_space<vmem>>) semaphore(%dma_start3A_331 : memref<!tpu.dma_semaphore, #tpu.memory_space<semaphore_mem>>)
    %dma_start3A_332 = arith.constant 22 : i32
    %dma_start3A_333 = arith.constant 22 : i32
    %dma_start3A_334 = arith.constant 0 : i32
    %dma_start3A_335 = arith.constant 0 : i32
    %dma_start3A_336 = arith.constant 0 : i32
    %dma_start3A_337 = tpu.memref_slice %arg6[%dma_start3A_333, %dma_start3A_335, %dma_start3A_336] : memref<64x50x32xf32, #tpu.memory_space<vmem>> -> memref<1x50x32xf32, #tpu.memory_space<vmem>>
    %dma_start3A_338 = tpu.memref_squeeze %dma_start3A_337 : memref<1x50x32xf32, #tpu.memory_space<vmem>> -> memref<50x32xf32, #tpu.memory_space<vmem>>
    %dma_start3A_339 = arith.constant 0 : i32
    %dma_start3A_340 = tpu.memref_slice %arg5[%dma_start3A_332, %dma_start3A_339] : memref<512x50xi32, #tpu.memory_space<vmem>> -> memref<1x50xi32, #tpu.memory_space<vmem>>
    %dma_start3A_341 = tpu.memref_squeeze %dma_start3A_340 : memref<1x50xi32, #tpu.memory_space<vmem>> -> memref<50xi32, #tpu.memory_space<vmem>>
    %dma_start3A_342 = arith.constant 0 : i32
    %dma_start3A_343 = arith.constant 0 : i32
    %dma_start3A_344 = tpu.memref_slice %arg3[%dma_start3A_342, %dma_start3A_343] : memref<1000000x32xf32, #tpu.memory_space<hbm>> -> memref<1000000x32xf32, #tpu.memory_space<hbm>>
    %dma_start3A_345 = tpu.memref_slice %arg7[%dma_start3A_334] : memref<2x!tpu.dma_semaphore, #tpu.memory_space<semaphore_mem>> -> memref<1x!tpu.dma_semaphore, #tpu.memory_space<semaphore_mem>>
    %dma_start3A_346 = tpu.memref_squeeze %dma_start3A_345 : memref<1x!tpu.dma_semaphore, #tpu.memory_space<semaphore_mem>> -> memref<!tpu.dma_semaphore, #tpu.memory_space<semaphore_mem>>
    tpu.enqueue_indirect_dma source(%dma_start3A_344 : memref<1000000x32xf32, #tpu.memory_space<hbm>>) target(%dma_start3A_338 : memref<50x32xf32, #tpu.memory_space<vmem>>) offsets(%dma_start3A_341 : memref<50xi32, #tpu.memory_space<vmem>>) semaphore(%dma_start3A_346 : memref<!tpu.dma_semaphore, #tpu.memory_space<semaphore_mem>>)
    %dma_start3A_347 = arith.constant 23 : i32
    %dma_start3A_348 = arith.constant 23 : i32
    %dma_start3A_349 = arith.constant 0 : i32
    %dma_start3A_350 = arith.constant 0 : i32
    %dma_start3A_351 = arith.constant 0 : i32
    %dma_start3A_352 = tpu.memref_slice %arg6[%dma_start3A_348, %dma_start3A_350, %dma_start3A_351] : memref<64x50x32xf32, #tpu.memory_space<vmem>> -> memref<1x50x32xf32, #tpu.memory_space<vmem>>
    %dma_start3A_353 = tpu.memref_squeeze %dma_start3A_352 : memref<1x50x32xf32, #tpu.memory_space<vmem>> -> memref<50x32xf32, #tpu.memory_space<vmem>>
    %dma_start3A_354 = arith.constant 0 : i32
    %dma_start3A_355 = tpu.memref_slice %arg5[%dma_start3A_347, %dma_start3A_354] : memref<512x50xi32, #tpu.memory_space<vmem>> -> memref<1x50xi32, #tpu.memory_space<vmem>>
    %dma_start3A_356 = tpu.memref_squeeze %dma_start3A_355 : memref<1x50xi32, #tpu.memory_space<vmem>> -> memref<50xi32, #tpu.memory_space<vmem>>
    %dma_start3A_357 = arith.constant 0 : i32
    %dma_start3A_358 = arith.constant 0 : i32
    %dma_start3A_359 = tpu.memref_slice %arg3[%dma_start3A_357, %dma_start3A_358] : memref<1000000x32xf32, #tpu.memory_space<hbm>> -> memref<1000000x32xf32, #tpu.memory_space<hbm>>
    %dma_start3A_360 = tpu.memref_slice %arg7[%dma_start3A_349] : memref<2x!tpu.dma_semaphore, #tpu.memory_space<semaphore_mem>> -> memref<1x!tpu.dma_semaphore, #tpu.memory_space<semaphore_mem>>
    %dma_start3A_361 = tpu.memref_squeeze %dma_start3A_360 : memref<1x!tpu.dma_semaphore, #tpu.memory_space<semaphore_mem>> -> memref<!tpu.dma_semaphore, #tpu.memory_space<semaphore_mem>>
    tpu.enqueue_indirect_dma source(%dma_start3A_359 : memref<1000000x32xf32, #tpu.memory_space<hbm>>) target(%dma_start3A_353 : memref<50x32xf32, #tpu.memory_space<vmem>>) offsets(%dma_start3A_356 : memref<50xi32, #tpu.memory_space<vmem>>) semaphore(%dma_start3A_361 : memref<!tpu.dma_semaphore, #tpu.memory_space<semaphore_mem>>)
    %dma_start3A_362 = arith.constant 24 : i32
    %dma_start3A_363 = arith.constant 24 : i32
    %dma_start3A_364 = arith.constant 0 : i32
    %dma_start3A_365 = arith.constant 0 : i32
    %dma_start3A_366 = arith.constant 0 : i32
    %dma_start3A_367 = tpu.memref_slice %arg6[%dma_start3A_363, %dma_start3A_365, %dma_start3A_366] : memref<64x50x32xf32, #tpu.memory_space<vmem>> -> memref<1x50x32xf32, #tpu.memory_space<vmem>>
    %dma_start3A_368 = tpu.memref_squeeze %dma_start3A_367 : memref<1x50x32xf32, #tpu.memory_space<vmem>> -> memref<50x32xf32, #tpu.memory_space<vmem>>
    %dma_start3A_369 = arith.constant 0 : i32
    %dma_start3A_370 = tpu.memref_slice %arg5[%dma_start3A_362, %dma_start3A_369] : memref<512x50xi32, #tpu.memory_space<vmem>> -> memref<1x50xi32, #tpu.memory_space<vmem>>
    %dma_start3A_371 = tpu.memref_squeeze %dma_start3A_370 : memref<1x50xi32, #tpu.memory_space<vmem>> -> memref<50xi32, #tpu.memory_space<vmem>>
    %dma_start3A_372 = arith.constant 0 : i32
    %dma_start3A_373 = arith.constant 0 : i32
    %dma_start3A_374 = tpu.memref_slice %arg3[%dma_start3A_372, %dma_start3A_373] : memref<1000000x32xf32, #tpu.memory_space<hbm>> -> memref<1000000x32xf32, #tpu.memory_space<hbm>>
    %dma_start3A_375 = tpu.memref_slice %arg7[%dma_start3A_364] : memref<2x!tpu.dma_semaphore, #tpu.memory_space<semaphore_mem>> -> memref<1x!tpu.dma_semaphore, #tpu.memory_space<semaphore_mem>>
    %dma_start3A_376 = tpu.memref_squeeze %dma_start3A_375 : memref<1x!tpu.dma_semaphore, #tpu.memory_space<semaphore_mem>> -> memref<!tpu.dma_semaphore, #tpu.memory_space<semaphore_mem>>
    tpu.enqueue_indirect_dma source(%dma_start3A_374 : memref<1000000x32xf32, #tpu.memory_space<hbm>>) target(%dma_start3A_368 : memref<50x32xf32, #tpu.memory_space<vmem>>) offsets(%dma_start3A_371 : memref<50xi32, #tpu.memory_space<vmem>>) semaphore(%dma_start3A_376 : memref<!tpu.dma_semaphore, #tpu.memory_space<semaphore_mem>>)
    %dma_start3A_377 = arith.constant 25 : i32
    %dma_start3A_378 = arith.constant 25 : i32
    %dma_start3A_379 = arith.constant 0 : i32
    %dma_start3A_380 = arith.constant 0 : i32
    %dma_start3A_381 = arith.constant 0 : i32
    %dma_start3A_382 = tpu.memref_slice %arg6[%dma_start3A_378, %dma_start3A_380, %dma_start3A_381] : memref<64x50x32xf32, #tpu.memory_space<vmem>> -> memref<1x50x32xf32, #tpu.memory_space<vmem>>
    %dma_start3A_383 = tpu.memref_squeeze %dma_start3A_382 : memref<1x50x32xf32, #tpu.memory_space<vmem>> -> memref<50x32xf32, #tpu.memory_space<vmem>>
    %dma_start3A_384 = arith.constant 0 : i32
    %dma_start3A_385 = tpu.memref_slice %arg5[%dma_start3A_377, %dma_start3A_384] : memref<512x50xi32, #tpu.memory_space<vmem>> -> memref<1x50xi32, #tpu.memory_space<vmem>>
    %dma_start3A_386 = tpu.memref_squeeze %dma_start3A_385 : memref<1x50xi32, #tpu.memory_space<vmem>> -> memref<50xi32, #tpu.memory_space<vmem>>
    %dma_start3A_387 = arith.constant 0 : i32
    %dma_start3A_388 = arith.constant 0 : i32
    %dma_start3A_389 = tpu.memref_slice %arg3[%dma_start3A_387, %dma_start3A_388] : memref<1000000x32xf32, #tpu.memory_space<hbm>> -> memref<1000000x32xf32, #tpu.memory_space<hbm>>
    %dma_start3A_390 = tpu.memref_slice %arg7[%dma_start3A_379] : memref<2x!tpu.dma_semaphore, #tpu.memory_space<semaphore_mem>> -> memref<1x!tpu.dma_semaphore, #tpu.memory_space<semaphore_mem>>
    %dma_start3A_391 = tpu.memref_squeeze %dma_start3A_390 : memref<1x!tpu.dma_semaphore, #tpu.memory_space<semaphore_mem>> -> memref<!tpu.dma_semaphore, #tpu.memory_space<semaphore_mem>>
    tpu.enqueue_indirect_dma source(%dma_start3A_389 : memref<1000000x32xf32, #tpu.memory_space<hbm>>) target(%dma_start3A_383 : memref<50x32xf32, #tpu.memory_space<vmem>>) offsets(%dma_start3A_386 : memref<50xi32, #tpu.memory_space<vmem>>) semaphore(%dma_start3A_391 : memref<!tpu.dma_semaphore, #tpu.memory_space<semaphore_mem>>)
    %dma_start3A_392 = arith.constant 26 : i32
    %dma_start3A_393 = arith.constant 26 : i32
    %dma_start3A_394 = arith.constant 0 : i32
    %dma_start3A_395 = arith.constant 0 : i32
    %dma_start3A_396 = arith.constant 0 : i32
    %dma_start3A_397 = tpu.memref_slice %arg6[%dma_start3A_393, %dma_start3A_395, %dma_start3A_396] : memref<64x50x32xf32, #tpu.memory_space<vmem>> -> memref<1x50x32xf32, #tpu.memory_space<vmem>>
    %dma_start3A_398 = tpu.memref_squeeze %dma_start3A_397 : memref<1x50x32xf32, #tpu.memory_space<vmem>> -> memref<50x32xf32, #tpu.memory_space<vmem>>
    %dma_start3A_399 = arith.constant 0 : i32
    %dma_start3A_400 = tpu.memref_slice %arg5[%dma_start3A_392, %dma_start3A_399] : memref<512x50xi32, #tpu.memory_space<vmem>> -> memref<1x50xi32, #tpu.memory_space<vmem>>
    %dma_start3A_401 = tpu.memref_squeeze %dma_start3A_400 : memref<1x50xi32, #tpu.memory_space<vmem>> -> memref<50xi32, #tpu.memory_space<vmem>>
    %dma_start3A_402 = arith.constant 0 : i32
    %dma_start3A_403 = arith.constant 0 : i32
    %dma_start3A_404 = tpu.memref_slice %arg3[%dma_start3A_402, %dma_start3A_403] : memref<1000000x32xf32, #tpu.memory_space<hbm>> -> memref<1000000x32xf32, #tpu.memory_space<hbm>>
    %dma_start3A_405 = tpu.memref_slice %arg7[%dma_start3A_394] : memref<2x!tpu.dma_semaphore, #tpu.memory_space<semaphore_mem>> -> memref<1x!tpu.dma_semaphore, #tpu.memory_space<semaphore_mem>>
    %dma_start3A_406 = tpu.memref_squeeze %dma_start3A_405 : memref<1x!tpu.dma_semaphore, #tpu.memory_space<semaphore_mem>> -> memref<!tpu.dma_semaphore, #tpu.memory_space<semaphore_mem>>
    tpu.enqueue_indirect_dma source(%dma_start3A_404 : memref<1000000x32xf32, #tpu.memory_space<hbm>>) target(%dma_start3A_398 : memref<50x32xf32, #tpu.memory_space<vmem>>) offsets(%dma_start3A_401 : memref<50xi32, #tpu.memory_space<vmem>>) semaphore(%dma_start3A_406 : memref<!tpu.dma_semaphore, #tpu.memory_space<semaphore_mem>>)
    %dma_start3A_407 = arith.constant 27 : i32
    %dma_start3A_408 = arith.constant 27 : i32
    %dma_start3A_409 = arith.constant 0 : i32
    %dma_start3A_410 = arith.constant 0 : i32
    %dma_start3A_411 = arith.constant 0 : i32
    %dma_start3A_412 = tpu.memref_slice %arg6[%dma_start3A_408, %dma_start3A_410, %dma_start3A_411] : memref<64x50x32xf32, #tpu.memory_space<vmem>> -> memref<1x50x32xf32, #tpu.memory_space<vmem>>
    %dma_start3A_413 = tpu.memref_squeeze %dma_start3A_412 : memref<1x50x32xf32, #tpu.memory_space<vmem>> -> memref<50x32xf32, #tpu.memory_space<vmem>>
    %dma_start3A_414 = arith.constant 0 : i32
    %dma_start3A_415 = tpu.memref_slice %arg5[%dma_start3A_407, %dma_start3A_414] : memref<512x50xi32, #tpu.memory_space<vmem>> -> memref<1x50xi32, #tpu.memory_space<vmem>>
    %dma_start3A_416 = tpu.memref_squeeze %dma_start3A_415 : memref<1x50xi32, #tpu.memory_space<vmem>> -> memref<50xi32, #tpu.memory_space<vmem>>
    %dma_start3A_417 = arith.constant 0 : i32
    %dma_start3A_418 = arith.constant 0 : i32
    %dma_start3A_419 = tpu.memref_slice %arg3[%dma_start3A_417, %dma_start3A_418] : memref<1000000x32xf32, #tpu.memory_space<hbm>> -> memref<1000000x32xf32, #tpu.memory_space<hbm>>
    %dma_start3A_420 = tpu.memref_slice %arg7[%dma_start3A_409] : memref<2x!tpu.dma_semaphore, #tpu.memory_space<semaphore_mem>> -> memref<1x!tpu.dma_semaphore, #tpu.memory_space<semaphore_mem>>
    %dma_start3A_421 = tpu.memref_squeeze %dma_start3A_420 : memref<1x!tpu.dma_semaphore, #tpu.memory_space<semaphore_mem>> -> memref<!tpu.dma_semaphore, #tpu.memory_space<semaphore_mem>>
    tpu.enqueue_indirect_dma source(%dma_start3A_419 : memref<1000000x32xf32, #tpu.memory_space<hbm>>) target(%dma_start3A_413 : memref<50x32xf32, #tpu.memory_space<vmem>>) offsets(%dma_start3A_416 : memref<50xi32, #tpu.memory_space<vmem>>) semaphore(%dma_start3A_421 : memref<!tpu.dma_semaphore, #tpu.memory_space<semaphore_mem>>)
    %dma_start3A_422 = arith.constant 28 : i32
    %dma_start3A_423 = arith.constant 28 : i32
    %dma_start3A_424 = arith.constant 0 : i32
    %dma_start3A_425 = arith.constant 0 : i32
    %dma_start3A_426 = arith.constant 0 : i32
    %dma_start3A_427 = tpu.memref_slice %arg6[%dma_start3A_423, %dma_start3A_425, %dma_start3A_426] : memref<64x50x32xf32, #tpu.memory_space<vmem>> -> memref<1x50x32xf32, #tpu.memory_space<vmem>>
    %dma_start3A_428 = tpu.memref_squeeze %dma_start3A_427 : memref<1x50x32xf32, #tpu.memory_space<vmem>> -> memref<50x32xf32, #tpu.memory_space<vmem>>
    %dma_start3A_429 = arith.constant 0 : i32
    %dma_start3A_430 = tpu.memref_slice %arg5[%dma_start3A_422, %dma_start3A_429] : memref<512x50xi32, #tpu.memory_space<vmem>> -> memref<1x50xi32, #tpu.memory_space<vmem>>
    %dma_start3A_431 = tpu.memref_squeeze %dma_start3A_430 : memref<1x50xi32, #tpu.memory_space<vmem>> -> memref<50xi32, #tpu.memory_space<vmem>>
    %dma_start3A_432 = arith.constant 0 : i32
    %dma_start3A_433 = arith.constant 0 : i32
    %dma_start3A_434 = tpu.memref_slice %arg3[%dma_start3A_432, %dma_start3A_433] : memref<1000000x32xf32, #tpu.memory_space<hbm>> -> memref<1000000x32xf32, #tpu.memory_space<hbm>>
    %dma_start3A_435 = tpu.memref_slice %arg7[%dma_start3A_424] : memref<2x!tpu.dma_semaphore, #tpu.memory_space<semaphore_mem>> -> memref<1x!tpu.dma_semaphore, #tpu.memory_space<semaphore_mem>>
    %dma_start3A_436 = tpu.memref_squeeze %dma_start3A_435 : memref<1x!tpu.dma_semaphore, #tpu.memory_space<semaphore_mem>> -> memref<!tpu.dma_semaphore, #tpu.memory_space<semaphore_mem>>
    tpu.enqueue_indirect_dma source(%dma_start3A_434 : memref<1000000x32xf32, #tpu.memory_space<hbm>>) target(%dma_start3A_428 : memref<50x32xf32, #tpu.memory_space<vmem>>) offsets(%dma_start3A_431 : memref<50xi32, #tpu.memory_space<vmem>>) semaphore(%dma_start3A_436 : memref<!tpu.dma_semaphore, #tpu.memory_space<semaphore_mem>>)
    %dma_start3A_437 = arith.constant 29 : i32
    %dma_start3A_438 = arith.constant 29 : i32
    %dma_start3A_439 = arith.constant 0 : i32
    %dma_start3A_440 = arith.constant 0 : i32
    %dma_start3A_441 = arith.constant 0 : i32
    %dma_start3A_442 = tpu.memref_slice %arg6[%dma_start3A_438, %dma_start3A_440, %dma_start3A_441] : memref<64x50x32xf32, #tpu.memory_space<vmem>> -> memref<1x50x32xf32, #tpu.memory_space<vmem>>
    %dma_start3A_443 = tpu.memref_squeeze %dma_start3A_442 : memref<1x50x32xf32, #tpu.memory_space<vmem>> -> memref<50x32xf32, #tpu.memory_space<vmem>>
    %dma_start3A_444 = arith.constant 0 : i32
    %dma_start3A_445 = tpu.memref_slice %arg5[%dma_start3A_437, %dma_start3A_444] : memref<512x50xi32, #tpu.memory_space<vmem>> -> memref<1x50xi32, #tpu.memory_space<vmem>>
    %dma_start3A_446 = tpu.memref_squeeze %dma_start3A_445 : memref<1x50xi32, #tpu.memory_space<vmem>> -> memref<50xi32, #tpu.memory_space<vmem>>
    %dma_start3A_447 = arith.constant 0 : i32
    %dma_start3A_448 = arith.constant 0 : i32
    %dma_start3A_449 = tpu.memref_slice %arg3[%dma_start3A_447, %dma_start3A_448] : memref<1000000x32xf32, #tpu.memory_space<hbm>> -> memref<1000000x32xf32, #tpu.memory_space<hbm>>
    %dma_start3A_450 = tpu.memref_slice %arg7[%dma_start3A_439] : memref<2x!tpu.dma_semaphore, #tpu.memory_space<semaphore_mem>> -> memref<1x!tpu.dma_semaphore, #tpu.memory_space<semaphore_mem>>
    %dma_start3A_451 = tpu.memref_squeeze %dma_start3A_450 : memref<1x!tpu.dma_semaphore, #tpu.memory_space<semaphore_mem>> -> memref<!tpu.dma_semaphore, #tpu.memory_space<semaphore_mem>>
    tpu.enqueue_indirect_dma source(%dma_start3A_449 : memref<1000000x32xf32, #tpu.memory_space<hbm>>) target(%dma_start3A_443 : memref<50x32xf32, #tpu.memory_space<vmem>>) offsets(%dma_start3A_446 : memref<50xi32, #tpu.memory_space<vmem>>) semaphore(%dma_start3A_451 : memref<!tpu.dma_semaphore, #tpu.memory_space<semaphore_mem>>)
    %dma_start3A_452 = arith.constant 30 : i32
    %dma_start3A_453 = arith.constant 30 : i32
    %dma_start3A_454 = arith.constant 0 : i32
    %dma_start3A_455 = arith.constant 0 : i32
    %dma_start3A_456 = arith.constant 0 : i32
    %dma_start3A_457 = tpu.memref_slice %arg6[%dma_start3A_453, %dma_start3A_455, %dma_start3A_456] : memref<64x50x32xf32, #tpu.memory_space<vmem>> -> memref<1x50x32xf32, #tpu.memory_space<vmem>>
    %dma_start3A_458 = tpu.memref_squeeze %dma_start3A_457 : memref<1x50x32xf32, #tpu.memory_space<vmem>> -> memref<50x32xf32, #tpu.memory_space<vmem>>
    %dma_start3A_459 = arith.constant 0 : i32
    %dma_start3A_460 = tpu.memref_slice %arg5[%dma_start3A_452, %dma_start3A_459] : memref<512x50xi32, #tpu.memory_space<vmem>> -> memref<1x50xi32, #tpu.memory_space<vmem>>
    %dma_start3A_461 = tpu.memref_squeeze %dma_start3A_460 : memref<1x50xi32, #tpu.memory_space<vmem>> -> memref<50xi32, #tpu.memory_space<vmem>>
    %dma_start3A_462 = arith.constant 0 : i32
    %dma_start3A_463 = arith.constant 0 : i32
    %dma_start3A_464 = tpu.memref_slice %arg3[%dma_start3A_462, %dma_start3A_463] : memref<1000000x32xf32, #tpu.memory_space<hbm>> -> memref<1000000x32xf32, #tpu.memory_space<hbm>>
    %dma_start3A_465 = tpu.memref_slice %arg7[%dma_start3A_454] : memref<2x!tpu.dma_semaphore, #tpu.memory_space<semaphore_mem>> -> memref<1x!tpu.dma_semaphore, #tpu.memory_space<semaphore_mem>>
    %dma_start3A_466 = tpu.memref_squeeze %dma_start3A_465 : memref<1x!tpu.dma_semaphore, #tpu.memory_space<semaphore_mem>> -> memref<!tpu.dma_semaphore, #tpu.memory_space<semaphore_mem>>
    tpu.enqueue_indirect_dma source(%dma_start3A_464 : memref<1000000x32xf32, #tpu.memory_space<hbm>>) target(%dma_start3A_458 : memref<50x32xf32, #tpu.memory_space<vmem>>) offsets(%dma_start3A_461 : memref<50xi32, #tpu.memory_space<vmem>>) semaphore(%dma_start3A_466 : memref<!tpu.dma_semaphore, #tpu.memory_space<semaphore_mem>>)
    %dma_start3A_467 = arith.constant 31 : i32
    %dma_start3A_468 = arith.constant 31 : i32
    %dma_start3A_469 = arith.constant 0 : i32
    %dma_start3A_470 = arith.constant 0 : i32
    %dma_start3A_471 = arith.constant 0 : i32
    %dma_start3A_472 = tpu.memref_slice %arg6[%dma_start3A_468, %dma_start3A_470, %dma_start3A_471] : memref<64x50x32xf32, #tpu.memory_space<vmem>> -> memref<1x50x32xf32, #tpu.memory_space<vmem>>
    %dma_start3A_473 = tpu.memref_squeeze %dma_start3A_472 : memref<1x50x32xf32, #tpu.memory_space<vmem>> -> memref<50x32xf32, #tpu.memory_space<vmem>>
    %dma_start3A_474 = arith.constant 0 : i32
    %dma_start3A_475 = tpu.memref_slice %arg5[%dma_start3A_467, %dma_start3A_474] : memref<512x50xi32, #tpu.memory_space<vmem>> -> memref<1x50xi32, #tpu.memory_space<vmem>>
    %dma_start3A_476 = tpu.memref_squeeze %dma_start3A_475 : memref<1x50xi32, #tpu.memory_space<vmem>> -> memref<50xi32, #tpu.memory_space<vmem>>
    %dma_start3A_477 = arith.constant 0 : i32
    %dma_start3A_478 = arith.constant 0 : i32
    %dma_start3A_479 = tpu.memref_slice %arg3[%dma_start3A_477, %dma_start3A_478] : memref<1000000x32xf32, #tpu.memory_space<hbm>> -> memref<1000000x32xf32, #tpu.memory_space<hbm>>
    %dma_start3A_480 = tpu.memref_slice %arg7[%dma_start3A_469] : memref<2x!tpu.dma_semaphore, #tpu.memory_space<semaphore_mem>> -> memref<1x!tpu.dma_semaphore, #tpu.memory_space<semaphore_mem>>
    %dma_start3A_481 = tpu.memref_squeeze %dma_start3A_480 : memref<1x!tpu.dma_semaphore, #tpu.memory_space<semaphore_mem>> -> memref<!tpu.dma_semaphore, #tpu.memory_space<semaphore_mem>>
    tpu.enqueue_indirect_dma source(%dma_start3A_479 : memref<1000000x32xf32, #tpu.memory_space<hbm>>) target(%dma_start3A_473 : memref<50x32xf32, #tpu.memory_space<vmem>>) offsets(%dma_start3A_476 : memref<50xi32, #tpu.memory_space<vmem>>) semaphore(%dma_start3A_481 : memref<!tpu.dma_semaphore, #tpu.memory_space<semaphore_mem>>)
    %scan3A = arith.constant 0 : i32
    %scan3A_482 = arith.constant 16 : i32
    %scan3A_483 = arith.addi %scan3A, %scan3A_482 : i32
    %scan3A_484 = arith.constant 1 : i32
    scf.for %scan3A_519 = %scan3A to %scan3A_483 step %scan3A_484  : i32 {
      %jit3A = arith.constant 2 : i32
      %eq3A = arith.constant 0 : i32
      %eq3A_520 = arith.cmpi eq, %jit3A, %eq3A : i32
      %jit3A_521 = arith.constant 1 : i32
      %select_n3A = arith.select %eq3A_520, %jit3A_521, %jit3A : i32
      %rem3A = arith.remsi %scan3A_519, %select_n3A : i32
      %ne3A = arith.constant 0 : i32
      %ne3A_522 = arith.cmpi ne, %rem3A, %ne3A : i32
      %lt3A = arith.constant 0 : i32
      %lt3A_523 = arith.cmpi slt, %rem3A, %lt3A : i32
      %lt3A_524 = arith.constant 0 : i32
      %lt3A_525 = arith.cmpi slt, %select_n3A, %lt3A_524 : i32
      %ne3A_526 = arith.xori %lt3A_523, %lt3A_525 : i1
      %and3A = arith.andi %ne3A_526, %ne3A_522 : i1
      %add3A_527 = arith.addi %rem3A, %select_n3A : i32
      %select_n3A_528 = arith.select %and3A, %add3A_527, %rem3A : i32
      %sub3A = arith.constant 1 : i32
      %sub3A_529 = arith.subi %sub3A, %select_n3A_528 : i32
      %add3A_530 = arith.constant 1 : i32
      %add3A_531 = arith.addi %scan3A_519, %add3A_530 : i32
      %lt3A_532 = arith.constant 16 : i32
      %lt3A_533 = arith.cmpi slt, %add3A_531, %lt3A_532 : i32
      %convert_element_type3A = arith.extui %lt3A_533 : i1 to i32
      %cond3A = arith.constant 0 : i32
      %cond3A_534 = arith.cmpi ne, %convert_element_type3A, %cond3A : i32
      scf.if %cond3A_534 {
        %gt3A = arith.constant 0 : i32
        %gt3A_572 = arith.cmpi sgt, %scan3A_519, %gt3A : i32
        %convert_element_type3A_573 = arith.extui %gt3A_572 : i1 to i32
        %cond3A_574 = arith.constant 0 : i32
        %cond3A_575 = arith.cmpi ne, %convert_element_type3A_573, %cond3A_574 : i32
        scf.if %cond3A_575 {
          %mul3A_1218 = arith.constant 32 : i32
          %mul3A_1219 = arith.muli %sub3A_529, %mul3A_1218 : i32
          %dma_wait3A_1220 = arith.constant 0 : i32
          %dma_wait3A_1221 = arith.constant 0 : i32
          %dma_wait3A_1222 = tpu.memref_slice %arg6[%mul3A_1219, %dma_wait3A_1220, %dma_wait3A_1221] : memref<64x50x32xf32, #tpu.memory_space<vmem>> -> memref<32x50x32xf32, #tpu.memory_space<vmem>>
          %dma_wait3A_1223 = arith.constant 0 : i32
          %dma_wait3A_1224 = arith.constant 0 : i32
          %dma_wait3A_1225 = tpu.memref_slice %arg4[%mul3A_2, %dma_wait3A_1223, %dma_wait3A_1224] : memref<16384x50x32xf32, #tpu.memory_space<hbm>> -> memref<32x50x32xf32, #tpu.memory_space<hbm>>
          %dma_wait3A_1226 = tpu.memref_slice %arg8[%sub3A_529] : memref<2x!tpu.dma_semaphore, #tpu.memory_space<semaphore_mem>> -> memref<1x!tpu.dma_semaphore, #tpu.memory_space<semaphore_mem>>
          %dma_wait3A_1227 = tpu.memref_squeeze %dma_wait3A_1226 : memref<1x!tpu.dma_semaphore, #tpu.memory_space<semaphore_mem>> -> memref<!tpu.dma_semaphore, #tpu.memory_space<semaphore_mem>>
          %dma_wait3A_1228 = arith.constant 0 : i32
          %dma_wait3A_1229 = arith.constant 0 : i32
          %dma_wait3A_1230 = tpu.memref_slice %arg4[%mul3A_2, %dma_wait3A_1228, %dma_wait3A_1229] : memref<16384x50x32xf32, #tpu.memory_space<hbm>> -> memref<32x50x32xf32, #tpu.memory_space<hbm>>
          %dma_wait3A_1231 = arith.constant 0 : i32
          %dma_wait3A_1232 = arith.constant 0 : i32
          %dma_wait3A_1233 = tpu.memref_slice %arg6[%mul3A_1219, %dma_wait3A_1231, %dma_wait3A_1232] : memref<64x50x32xf32, #tpu.memory_space<vmem>> -> memref<32x50x32xf32, #tpu.memory_space<vmem>>
          tpu.wait_dma2 semaphore(%dma_wait3A_1227 : memref<!tpu.dma_semaphore, #tpu.memory_space<semaphore_mem>>) src(%dma_wait3A_1233 : memref<32x50x32xf32, #tpu.memory_space<vmem>>) dst(%dma_wait3A_1230 : memref<32x50x32xf32, #tpu.memory_space<hbm>>)
        } else {
        }
        %add3A_576 = arith.constant 1 : i32
        %add3A_577 = arith.addi %scan3A_519, %add3A_576 : i32
        %mul3A_578 = arith.constant 32 : i32
        %mul3A_579 = arith.muli %add3A_577, %mul3A_578 : i32
        %add3A_580 = arith.constant 0 : i32
        %add3A_581 = arith.addi %mul3A_579, %add3A_580 : i32
        %mul3A_582 = arith.constant 32 : i32
        %mul3A_583 = arith.muli %sub3A_529, %mul3A_582 : i32
        %add3A_584 = arith.constant 0 : i32
        %add3A_585 = arith.addi %mul3A_583, %add3A_584 : i32
        %dma_start3A_586 = arith.constant 0 : i32
        %dma_start3A_587 = arith.constant 0 : i32
        %dma_start3A_588 = tpu.memref_slice %arg6[%add3A_585, %dma_start3A_586, %dma_start3A_587] : memref<64x50x32xf32, #tpu.memory_space<vmem>> -> memref<1x50x32xf32, #tpu.memory_space<vmem>>
        %dma_start3A_589 = tpu.memref_squeeze %dma_start3A_588 : memref<1x50x32xf32, #tpu.memory_space<vmem>> -> memref<50x32xf32, #tpu.memory_space<vmem>>
        %dma_start3A_590 = arith.constant 0 : i32
        %dma_start3A_591 = tpu.memref_slice %arg5[%add3A_581, %dma_start3A_590] : memref<512x50xi32, #tpu.memory_space<vmem>> -> memref<1x50xi32, #tpu.memory_space<vmem>>
        %dma_start3A_592 = tpu.memref_squeeze %dma_start3A_591 : memref<1x50xi32, #tpu.memory_space<vmem>> -> memref<50xi32, #tpu.memory_space<vmem>>
        %dma_start3A_593 = arith.constant 0 : i32
        %dma_start3A_594 = arith.constant 0 : i32
        %dma_start3A_595 = tpu.memref_slice %arg3[%dma_start3A_593, %dma_start3A_594] : memref<1000000x32xf32, #tpu.memory_space<hbm>> -> memref<1000000x32xf32, #tpu.memory_space<hbm>>
        %dma_start3A_596 = tpu.memref_slice %arg7[%sub3A_529] : memref<2x!tpu.dma_semaphore, #tpu.memory_space<semaphore_mem>> -> memref<1x!tpu.dma_semaphore, #tpu.memory_space<semaphore_mem>>
        %dma_start3A_597 = tpu.memref_squeeze %dma_start3A_596 : memref<1x!tpu.dma_semaphore, #tpu.memory_space<semaphore_mem>> -> memref<!tpu.dma_semaphore, #tpu.memory_space<semaphore_mem>>
        tpu.enqueue_indirect_dma source(%dma_start3A_595 : memref<1000000x32xf32, #tpu.memory_space<hbm>>) target(%dma_start3A_589 : memref<50x32xf32, #tpu.memory_space<vmem>>) offsets(%dma_start3A_592 : memref<50xi32, #tpu.memory_space<vmem>>) semaphore(%dma_start3A_597 : memref<!tpu.dma_semaphore, #tpu.memory_space<semaphore_mem>>)
        %mul3A_598 = arith.constant 32 : i32
        %mul3A_599 = arith.muli %add3A_577, %mul3A_598 : i32
        %add3A_600 = arith.constant 1 : i32
        %add3A_601 = arith.addi %mul3A_599, %add3A_600 : i32
        %mul3A_602 = arith.constant 32 : i32
        %mul3A_603 = arith.muli %sub3A_529, %mul3A_602 : i32
        %add3A_604 = arith.constant 1 : i32
        %add3A_605 = arith.addi %mul3A_603, %add3A_604 : i32
        %dma_start3A_606 = arith.constant 0 : i32
        %dma_start3A_607 = arith.constant 0 : i32
        %dma_start3A_608 = tpu.memref_slice %arg6[%add3A_605, %dma_start3A_606, %dma_start3A_607] : memref<64x50x32xf32, #tpu.memory_space<vmem>> -> memref<1x50x32xf32, #tpu.memory_space<vmem>>
        %dma_start3A_609 = tpu.memref_squeeze %dma_start3A_608 : memref<1x50x32xf32, #tpu.memory_space<vmem>> -> memref<50x32xf32, #tpu.memory_space<vmem>>
        %dma_start3A_610 = arith.constant 0 : i32
        %dma_start3A_611 = tpu.memref_slice %arg5[%add3A_601, %dma_start3A_610] : memref<512x50xi32, #tpu.memory_space<vmem>> -> memref<1x50xi32, #tpu.memory_space<vmem>>
        %dma_start3A_612 = tpu.memref_squeeze %dma_start3A_611 : memref<1x50xi32, #tpu.memory_space<vmem>> -> memref<50xi32, #tpu.memory_space<vmem>>
        %dma_start3A_613 = arith.constant 0 : i32
        %dma_start3A_614 = arith.constant 0 : i32
        %dma_start3A_615 = tpu.memref_slice %arg3[%dma_start3A_613, %dma_start3A_614] : memref<1000000x32xf32, #tpu.memory_space<hbm>> -> memref<1000000x32xf32, #tpu.memory_space<hbm>>
        %dma_start3A_616 = tpu.memref_slice %arg7[%sub3A_529] : memref<2x!tpu.dma_semaphore, #tpu.memory_space<semaphore_mem>> -> memref<1x!tpu.dma_semaphore, #tpu.memory_space<semaphore_mem>>
        %dma_start3A_617 = tpu.memref_squeeze %dma_start3A_616 : memref<1x!tpu.dma_semaphore, #tpu.memory_space<semaphore_mem>> -> memref<!tpu.dma_semaphore, #tpu.memory_space<semaphore_mem>>
        tpu.enqueue_indirect_dma source(%dma_start3A_615 : memref<1000000x32xf32, #tpu.memory_space<hbm>>) target(%dma_start3A_609 : memref<50x32xf32, #tpu.memory_space<vmem>>) offsets(%dma_start3A_612 : memref<50xi32, #tpu.memory_space<vmem>>) semaphore(%dma_start3A_617 : memref<!tpu.dma_semaphore, #tpu.memory_space<semaphore_mem>>)
        %mul3A_618 = arith.constant 32 : i32
        %mul3A_619 = arith.muli %add3A_577, %mul3A_618 : i32
        %add3A_620 = arith.constant 2 : i32
        %add3A_621 = arith.addi %mul3A_619, %add3A_620 : i32
        %mul3A_622 = arith.constant 32 : i32
        %mul3A_623 = arith.muli %sub3A_529, %mul3A_622 : i32
        %add3A_624 = arith.constant 2 : i32
        %add3A_625 = arith.addi %mul3A_623, %add3A_624 : i32
        %dma_start3A_626 = arith.constant 0 : i32
        %dma_start3A_627 = arith.constant 0 : i32
        %dma_start3A_628 = tpu.memref_slice %arg6[%add3A_625, %dma_start3A_626, %dma_start3A_627] : memref<64x50x32xf32, #tpu.memory_space<vmem>> -> memref<1x50x32xf32, #tpu.memory_space<vmem>>
        %dma_start3A_629 = tpu.memref_squeeze %dma_start3A_628 : memref<1x50x32xf32, #tpu.memory_space<vmem>> -> memref<50x32xf32, #tpu.memory_space<vmem>>
        %dma_start3A_630 = arith.constant 0 : i32
        %dma_start3A_631 = tpu.memref_slice %arg5[%add3A_621, %dma_start3A_630] : memref<512x50xi32, #tpu.memory_space<vmem>> -> memref<1x50xi32, #tpu.memory_space<vmem>>
        %dma_start3A_632 = tpu.memref_squeeze %dma_start3A_631 : memref<1x50xi32, #tpu.memory_space<vmem>> -> memref<50xi32, #tpu.memory_space<vmem>>
        %dma_start3A_633 = arith.constant 0 : i32
        %dma_start3A_634 = arith.constant 0 : i32
        %dma_start3A_635 = tpu.memref_slice %arg3[%dma_start3A_633, %dma_start3A_634] : memref<1000000x32xf32, #tpu.memory_space<hbm>> -> memref<1000000x32xf32, #tpu.memory_space<hbm>>
        %dma_start3A_636 = tpu.memref_slice %arg7[%sub3A_529] : memref<2x!tpu.dma_semaphore, #tpu.memory_space<semaphore_mem>> -> memref<1x!tpu.dma_semaphore, #tpu.memory_space<semaphore_mem>>
        %dma_start3A_637 = tpu.memref_squeeze %dma_start3A_636 : memref<1x!tpu.dma_semaphore, #tpu.memory_space<semaphore_mem>> -> memref<!tpu.dma_semaphore, #tpu.memory_space<semaphore_mem>>
        tpu.enqueue_indirect_dma source(%dma_start3A_635 : memref<1000000x32xf32, #tpu.memory_space<hbm>>) target(%dma_start3A_629 : memref<50x32xf32, #tpu.memory_space<vmem>>) offsets(%dma_start3A_632 : memref<50xi32, #tpu.memory_space<vmem>>) semaphore(%dma_start3A_637 : memref<!tpu.dma_semaphore, #tpu.memory_space<semaphore_mem>>)
        %mul3A_638 = arith.constant 32 : i32
        %mul3A_639 = arith.muli %add3A_577, %mul3A_638 : i32
        %add3A_640 = arith.constant 3 : i32
        %add3A_641 = arith.addi %mul3A_639, %add3A_640 : i32
        %mul3A_642 = arith.constant 32 : i32
        %mul3A_643 = arith.muli %sub3A_529, %mul3A_642 : i32
        %add3A_644 = arith.constant 3 : i32
        %add3A_645 = arith.addi %mul3A_643, %add3A_644 : i32
        %dma_start3A_646 = arith.constant 0 : i32
        %dma_start3A_647 = arith.constant 0 : i32
        %dma_start3A_648 = tpu.memref_slice %arg6[%add3A_645, %dma_start3A_646, %dma_start3A_647] : memref<64x50x32xf32, #tpu.memory_space<vmem>> -> memref<1x50x32xf32, #tpu.memory_space<vmem>>
        %dma_start3A_649 = tpu.memref_squeeze %dma_start3A_648 : memref<1x50x32xf32, #tpu.memory_space<vmem>> -> memref<50x32xf32, #tpu.memory_space<vmem>>
        %dma_start3A_650 = arith.constant 0 : i32
        %dma_start3A_651 = tpu.memref_slice %arg5[%add3A_641, %dma_start3A_650] : memref<512x50xi32, #tpu.memory_space<vmem>> -> memref<1x50xi32, #tpu.memory_space<vmem>>
        %dma_start3A_652 = tpu.memref_squeeze %dma_start3A_651 : memref<1x50xi32, #tpu.memory_space<vmem>> -> memref<50xi32, #tpu.memory_space<vmem>>
        %dma_start3A_653 = arith.constant 0 : i32
        %dma_start3A_654 = arith.constant 0 : i32
        %dma_start3A_655 = tpu.memref_slice %arg3[%dma_start3A_653, %dma_start3A_654] : memref<1000000x32xf32, #tpu.memory_space<hbm>> -> memref<1000000x32xf32, #tpu.memory_space<hbm>>
        %dma_start3A_656 = tpu.memref_slice %arg7[%sub3A_529] : memref<2x!tpu.dma_semaphore, #tpu.memory_space<semaphore_mem>> -> memref<1x!tpu.dma_semaphore, #tpu.memory_space<semaphore_mem>>
        %dma_start3A_657 = tpu.memref_squeeze %dma_start3A_656 : memref<1x!tpu.dma_semaphore, #tpu.memory_space<semaphore_mem>> -> memref<!tpu.dma_semaphore, #tpu.memory_space<semaphore_mem>>
        tpu.enqueue_indirect_dma source(%dma_start3A_655 : memref<1000000x32xf32, #tpu.memory_space<hbm>>) target(%dma_start3A_649 : memref<50x32xf32, #tpu.memory_space<vmem>>) offsets(%dma_start3A_652 : memref<50xi32, #tpu.memory_space<vmem>>) semaphore(%dma_start3A_657 : memref<!tpu.dma_semaphore, #tpu.memory_space<semaphore_mem>>)
        %mul3A_658 = arith.constant 32 : i32
        %mul3A_659 = arith.muli %add3A_577, %mul3A_658 : i32
        %add3A_660 = arith.constant 4 : i32
        %add3A_661 = arith.addi %mul3A_659, %add3A_660 : i32
        %mul3A_662 = arith.constant 32 : i32
        %mul3A_663 = arith.muli %sub3A_529, %mul3A_662 : i32
        %add3A_664 = arith.constant 4 : i32
        %add3A_665 = arith.addi %mul3A_663, %add3A_664 : i32
        %dma_start3A_666 = arith.constant 0 : i32
        %dma_start3A_667 = arith.constant 0 : i32
        %dma_start3A_668 = tpu.memref_slice %arg6[%add3A_665, %dma_start3A_666, %dma_start3A_667] : memref<64x50x32xf32, #tpu.memory_space<vmem>> -> memref<1x50x32xf32, #tpu.memory_space<vmem>>
        %dma_start3A_669 = tpu.memref_squeeze %dma_start3A_668 : memref<1x50x32xf32, #tpu.memory_space<vmem>> -> memref<50x32xf32, #tpu.memory_space<vmem>>
        %dma_start3A_670 = arith.constant 0 : i32
        %dma_start3A_671 = tpu.memref_slice %arg5[%add3A_661, %dma_start3A_670] : memref<512x50xi32, #tpu.memory_space<vmem>> -> memref<1x50xi32, #tpu.memory_space<vmem>>
        %dma_start3A_672 = tpu.memref_squeeze %dma_start3A_671 : memref<1x50xi32, #tpu.memory_space<vmem>> -> memref<50xi32, #tpu.memory_space<vmem>>
        %dma_start3A_673 = arith.constant 0 : i32
        %dma_start3A_674 = arith.constant 0 : i32
        %dma_start3A_675 = tpu.memref_slice %arg3[%dma_start3A_673, %dma_start3A_674] : memref<1000000x32xf32, #tpu.memory_space<hbm>> -> memref<1000000x32xf32, #tpu.memory_space<hbm>>
        %dma_start3A_676 = tpu.memref_slice %arg7[%sub3A_529] : memref<2x!tpu.dma_semaphore, #tpu.memory_space<semaphore_mem>> -> memref<1x!tpu.dma_semaphore, #tpu.memory_space<semaphore_mem>>
        %dma_start3A_677 = tpu.memref_squeeze %dma_start3A_676 : memref<1x!tpu.dma_semaphore, #tpu.memory_space<semaphore_mem>> -> memref<!tpu.dma_semaphore, #tpu.memory_space<semaphore_mem>>
        tpu.enqueue_indirect_dma source(%dma_start3A_675 : memref<1000000x32xf32, #tpu.memory_space<hbm>>) target(%dma_start3A_669 : memref<50x32xf32, #tpu.memory_space<vmem>>) offsets(%dma_start3A_672 : memref<50xi32, #tpu.memory_space<vmem>>) semaphore(%dma_start3A_677 : memref<!tpu.dma_semaphore, #tpu.memory_space<semaphore_mem>>)
        %mul3A_678 = arith.constant 32 : i32
        %mul3A_679 = arith.muli %add3A_577, %mul3A_678 : i32
        %add3A_680 = arith.constant 5 : i32
        %add3A_681 = arith.addi %mul3A_679, %add3A_680 : i32
        %mul3A_682 = arith.constant 32 : i32
        %mul3A_683 = arith.muli %sub3A_529, %mul3A_682 : i32
        %add3A_684 = arith.constant 5 : i32
        %add3A_685 = arith.addi %mul3A_683, %add3A_684 : i32
        %dma_start3A_686 = arith.constant 0 : i32
        %dma_start3A_687 = arith.constant 0 : i32
        %dma_start3A_688 = tpu.memref_slice %arg6[%add3A_685, %dma_start3A_686, %dma_start3A_687] : memref<64x50x32xf32, #tpu.memory_space<vmem>> -> memref<1x50x32xf32, #tpu.memory_space<vmem>>
        %dma_start3A_689 = tpu.memref_squeeze %dma_start3A_688 : memref<1x50x32xf32, #tpu.memory_space<vmem>> -> memref<50x32xf32, #tpu.memory_space<vmem>>
        %dma_start3A_690 = arith.constant 0 : i32
        %dma_start3A_691 = tpu.memref_slice %arg5[%add3A_681, %dma_start3A_690] : memref<512x50xi32, #tpu.memory_space<vmem>> -> memref<1x50xi32, #tpu.memory_space<vmem>>
        %dma_start3A_692 = tpu.memref_squeeze %dma_start3A_691 : memref<1x50xi32, #tpu.memory_space<vmem>> -> memref<50xi32, #tpu.memory_space<vmem>>
        %dma_start3A_693 = arith.constant 0 : i32
        %dma_start3A_694 = arith.constant 0 : i32
        %dma_start3A_695 = tpu.memref_slice %arg3[%dma_start3A_693, %dma_start3A_694] : memref<1000000x32xf32, #tpu.memory_space<hbm>> -> memref<1000000x32xf32, #tpu.memory_space<hbm>>
        %dma_start3A_696 = tpu.memref_slice %arg7[%sub3A_529] : memref<2x!tpu.dma_semaphore, #tpu.memory_space<semaphore_mem>> -> memref<1x!tpu.dma_semaphore, #tpu.memory_space<semaphore_mem>>
        %dma_start3A_697 = tpu.memref_squeeze %dma_start3A_696 : memref<1x!tpu.dma_semaphore, #tpu.memory_space<semaphore_mem>> -> memref<!tpu.dma_semaphore, #tpu.memory_space<semaphore_mem>>
        tpu.enqueue_indirect_dma source(%dma_start3A_695 : memref<1000000x32xf32, #tpu.memory_space<hbm>>) target(%dma_start3A_689 : memref<50x32xf32, #tpu.memory_space<vmem>>) offsets(%dma_start3A_692 : memref<50xi32, #tpu.memory_space<vmem>>) semaphore(%dma_start3A_697 : memref<!tpu.dma_semaphore, #tpu.memory_space<semaphore_mem>>)
        %mul3A_698 = arith.constant 32 : i32
        %mul3A_699 = arith.muli %add3A_577, %mul3A_698 : i32
        %add3A_700 = arith.constant 6 : i32
        %add3A_701 = arith.addi %mul3A_699, %add3A_700 : i32
        %mul3A_702 = arith.constant 32 : i32
        %mul3A_703 = arith.muli %sub3A_529, %mul3A_702 : i32
        %add3A_704 = arith.constant 6 : i32
        %add3A_705 = arith.addi %mul3A_703, %add3A_704 : i32
        %dma_start3A_706 = arith.constant 0 : i32
        %dma_start3A_707 = arith.constant 0 : i32
        %dma_start3A_708 = tpu.memref_slice %arg6[%add3A_705, %dma_start3A_706, %dma_start3A_707] : memref<64x50x32xf32, #tpu.memory_space<vmem>> -> memref<1x50x32xf32, #tpu.memory_space<vmem>>
        %dma_start3A_709 = tpu.memref_squeeze %dma_start3A_708 : memref<1x50x32xf32, #tpu.memory_space<vmem>> -> memref<50x32xf32, #tpu.memory_space<vmem>>
        %dma_start3A_710 = arith.constant 0 : i32
        %dma_start3A_711 = tpu.memref_slice %arg5[%add3A_701, %dma_start3A_710] : memref<512x50xi32, #tpu.memory_space<vmem>> -> memref<1x50xi32, #tpu.memory_space<vmem>>
        %dma_start3A_712 = tpu.memref_squeeze %dma_start3A_711 : memref<1x50xi32, #tpu.memory_space<vmem>> -> memref<50xi32, #tpu.memory_space<vmem>>
        %dma_start3A_713 = arith.constant 0 : i32
        %dma_start3A_714 = arith.constant 0 : i32
        %dma_start3A_715 = tpu.memref_slice %arg3[%dma_start3A_713, %dma_start3A_714] : memref<1000000x32xf32, #tpu.memory_space<hbm>> -> memref<1000000x32xf32, #tpu.memory_space<hbm>>
        %dma_start3A_716 = tpu.memref_slice %arg7[%sub3A_529] : memref<2x!tpu.dma_semaphore, #tpu.memory_space<semaphore_mem>> -> memref<1x!tpu.dma_semaphore, #tpu.memory_space<semaphore_mem>>
        %dma_start3A_717 = tpu.memref_squeeze %dma_start3A_716 : memref<1x!tpu.dma_semaphore, #tpu.memory_space<semaphore_mem>> -> memref<!tpu.dma_semaphore, #tpu.memory_space<semaphore_mem>>
        tpu.enqueue_indirect_dma source(%dma_start3A_715 : memref<1000000x32xf32, #tpu.memory_space<hbm>>) target(%dma_start3A_709 : memref<50x32xf32, #tpu.memory_space<vmem>>) offsets(%dma_start3A_712 : memref<50xi32, #tpu.memory_space<vmem>>) semaphore(%dma_start3A_717 : memref<!tpu.dma_semaphore, #tpu.memory_space<semaphore_mem>>)
        %mul3A_718 = arith.constant 32 : i32
        %mul3A_719 = arith.muli %add3A_577, %mul3A_718 : i32
        %add3A_720 = arith.constant 7 : i32
        %add3A_721 = arith.addi %mul3A_719, %add3A_720 : i32
        %mul3A_722 = arith.constant 32 : i32
        %mul3A_723 = arith.muli %sub3A_529, %mul3A_722 : i32
        %add3A_724 = arith.constant 7 : i32
        %add3A_725 = arith.addi %mul3A_723, %add3A_724 : i32
        %dma_start3A_726 = arith.constant 0 : i32
        %dma_start3A_727 = arith.constant 0 : i32
        %dma_start3A_728 = tpu.memref_slice %arg6[%add3A_725, %dma_start3A_726, %dma_start3A_727] : memref<64x50x32xf32, #tpu.memory_space<vmem>> -> memref<1x50x32xf32, #tpu.memory_space<vmem>>
        %dma_start3A_729 = tpu.memref_squeeze %dma_start3A_728 : memref<1x50x32xf32, #tpu.memory_space<vmem>> -> memref<50x32xf32, #tpu.memory_space<vmem>>
        %dma_start3A_730 = arith.constant 0 : i32
        %dma_start3A_731 = tpu.memref_slice %arg5[%add3A_721, %dma_start3A_730] : memref<512x50xi32, #tpu.memory_space<vmem>> -> memref<1x50xi32, #tpu.memory_space<vmem>>
        %dma_start3A_732 = tpu.memref_squeeze %dma_start3A_731 : memref<1x50xi32, #tpu.memory_space<vmem>> -> memref<50xi32, #tpu.memory_space<vmem>>
        %dma_start3A_733 = arith.constant 0 : i32
        %dma_start3A_734 = arith.constant 0 : i32
        %dma_start3A_735 = tpu.memref_slice %arg3[%dma_start3A_733, %dma_start3A_734] : memref<1000000x32xf32, #tpu.memory_space<hbm>> -> memref<1000000x32xf32, #tpu.memory_space<hbm>>
        %dma_start3A_736 = tpu.memref_slice %arg7[%sub3A_529] : memref<2x!tpu.dma_semaphore, #tpu.memory_space<semaphore_mem>> -> memref<1x!tpu.dma_semaphore, #tpu.memory_space<semaphore_mem>>
        %dma_start3A_737 = tpu.memref_squeeze %dma_start3A_736 : memref<1x!tpu.dma_semaphore, #tpu.memory_space<semaphore_mem>> -> memref<!tpu.dma_semaphore, #tpu.memory_space<semaphore_mem>>
        tpu.enqueue_indirect_dma source(%dma_start3A_735 : memref<1000000x32xf32, #tpu.memory_space<hbm>>) target(%dma_start3A_729 : memref<50x32xf32, #tpu.memory_space<vmem>>) offsets(%dma_start3A_732 : memref<50xi32, #tpu.memory_space<vmem>>) semaphore(%dma_start3A_737 : memref<!tpu.dma_semaphore, #tpu.memory_space<semaphore_mem>>)
        %mul3A_738 = arith.constant 32 : i32
        %mul3A_739 = arith.muli %add3A_577, %mul3A_738 : i32
        %add3A_740 = arith.constant 8 : i32
        %add3A_741 = arith.addi %mul3A_739, %add3A_740 : i32
        %mul3A_742 = arith.constant 32 : i32
        %mul3A_743 = arith.muli %sub3A_529, %mul3A_742 : i32
        %add3A_744 = arith.constant 8 : i32
        %add3A_745 = arith.addi %mul3A_743, %add3A_744 : i32
        %dma_start3A_746 = arith.constant 0 : i32
        %dma_start3A_747 = arith.constant 0 : i32
        %dma_start3A_748 = tpu.memref_slice %arg6[%add3A_745, %dma_start3A_746, %dma_start3A_747] : memref<64x50x32xf32, #tpu.memory_space<vmem>> -> memref<1x50x32xf32, #tpu.memory_space<vmem>>
        %dma_start3A_749 = tpu.memref_squeeze %dma_start3A_748 : memref<1x50x32xf32, #tpu.memory_space<vmem>> -> memref<50x32xf32, #tpu.memory_space<vmem>>
        %dma_start3A_750 = arith.constant 0 : i32
        %dma_start3A_751 = tpu.memref_slice %arg5[%add3A_741, %dma_start3A_750] : memref<512x50xi32, #tpu.memory_space<vmem>> -> memref<1x50xi32, #tpu.memory_space<vmem>>
        %dma_start3A_752 = tpu.memref_squeeze %dma_start3A_751 : memref<1x50xi32, #tpu.memory_space<vmem>> -> memref<50xi32, #tpu.memory_space<vmem>>
        %dma_start3A_753 = arith.constant 0 : i32
        %dma_start3A_754 = arith.constant 0 : i32
        %dma_start3A_755 = tpu.memref_slice %arg3[%dma_start3A_753, %dma_start3A_754] : memref<1000000x32xf32, #tpu.memory_space<hbm>> -> memref<1000000x32xf32, #tpu.memory_space<hbm>>
        %dma_start3A_756 = tpu.memref_slice %arg7[%sub3A_529] : memref<2x!tpu.dma_semaphore, #tpu.memory_space<semaphore_mem>> -> memref<1x!tpu.dma_semaphore, #tpu.memory_space<semaphore_mem>>
        %dma_start3A_757 = tpu.memref_squeeze %dma_start3A_756 : memref<1x!tpu.dma_semaphore, #tpu.memory_space<semaphore_mem>> -> memref<!tpu.dma_semaphore, #tpu.memory_space<semaphore_mem>>
        tpu.enqueue_indirect_dma source(%dma_start3A_755 : memref<1000000x32xf32, #tpu.memory_space<hbm>>) target(%dma_start3A_749 : memref<50x32xf32, #tpu.memory_space<vmem>>) offsets(%dma_start3A_752 : memref<50xi32, #tpu.memory_space<vmem>>) semaphore(%dma_start3A_757 : memref<!tpu.dma_semaphore, #tpu.memory_space<semaphore_mem>>)
        %mul3A_758 = arith.constant 32 : i32
        %mul3A_759 = arith.muli %add3A_577, %mul3A_758 : i32
        %add3A_760 = arith.constant 9 : i32
        %add3A_761 = arith.addi %mul3A_759, %add3A_760 : i32
        %mul3A_762 = arith.constant 32 : i32
        %mul3A_763 = arith.muli %sub3A_529, %mul3A_762 : i32
        %add3A_764 = arith.constant 9 : i32
        %add3A_765 = arith.addi %mul3A_763, %add3A_764 : i32
        %dma_start3A_766 = arith.constant 0 : i32
        %dma_start3A_767 = arith.constant 0 : i32
        %dma_start3A_768 = tpu.memref_slice %arg6[%add3A_765, %dma_start3A_766, %dma_start3A_767] : memref<64x50x32xf32, #tpu.memory_space<vmem>> -> memref<1x50x32xf32, #tpu.memory_space<vmem>>
        %dma_start3A_769 = tpu.memref_squeeze %dma_start3A_768 : memref<1x50x32xf32, #tpu.memory_space<vmem>> -> memref<50x32xf32, #tpu.memory_space<vmem>>
        %dma_start3A_770 = arith.constant 0 : i32
        %dma_start3A_771 = tpu.memref_slice %arg5[%add3A_761, %dma_start3A_770] : memref<512x50xi32, #tpu.memory_space<vmem>> -> memref<1x50xi32, #tpu.memory_space<vmem>>
        %dma_start3A_772 = tpu.memref_squeeze %dma_start3A_771 : memref<1x50xi32, #tpu.memory_space<vmem>> -> memref<50xi32, #tpu.memory_space<vmem>>
        %dma_start3A_773 = arith.constant 0 : i32
        %dma_start3A_774 = arith.constant 0 : i32
        %dma_start3A_775 = tpu.memref_slice %arg3[%dma_start3A_773, %dma_start3A_774] : memref<1000000x32xf32, #tpu.memory_space<hbm>> -> memref<1000000x32xf32, #tpu.memory_space<hbm>>
        %dma_start3A_776 = tpu.memref_slice %arg7[%sub3A_529] : memref<2x!tpu.dma_semaphore, #tpu.memory_space<semaphore_mem>> -> memref<1x!tpu.dma_semaphore, #tpu.memory_space<semaphore_mem>>
        %dma_start3A_777 = tpu.memref_squeeze %dma_start3A_776 : memref<1x!tpu.dma_semaphore, #tpu.memory_space<semaphore_mem>> -> memref<!tpu.dma_semaphore, #tpu.memory_space<semaphore_mem>>
        tpu.enqueue_indirect_dma source(%dma_start3A_775 : memref<1000000x32xf32, #tpu.memory_space<hbm>>) target(%dma_start3A_769 : memref<50x32xf32, #tpu.memory_space<vmem>>) offsets(%dma_start3A_772 : memref<50xi32, #tpu.memory_space<vmem>>) semaphore(%dma_start3A_777 : memref<!tpu.dma_semaphore, #tpu.memory_space<semaphore_mem>>)
        %mul3A_778 = arith.constant 32 : i32
        %mul3A_779 = arith.muli %add3A_577, %mul3A_778 : i32
        %add3A_780 = arith.constant 10 : i32
        %add3A_781 = arith.addi %mul3A_779, %add3A_780 : i32
        %mul3A_782 = arith.constant 32 : i32
        %mul3A_783 = arith.muli %sub3A_529, %mul3A_782 : i32
        %add3A_784 = arith.constant 10 : i32
        %add3A_785 = arith.addi %mul3A_783, %add3A_784 : i32
        %dma_start3A_786 = arith.constant 0 : i32
        %dma_start3A_787 = arith.constant 0 : i32
        %dma_start3A_788 = tpu.memref_slice %arg6[%add3A_785, %dma_start3A_786, %dma_start3A_787] : memref<64x50x32xf32, #tpu.memory_space<vmem>> -> memref<1x50x32xf32, #tpu.memory_space<vmem>>
        %dma_start3A_789 = tpu.memref_squeeze %dma_start3A_788 : memref<1x50x32xf32, #tpu.memory_space<vmem>> -> memref<50x32xf32, #tpu.memory_space<vmem>>
        %dma_start3A_790 = arith.constant 0 : i32
        %dma_start3A_791 = tpu.memref_slice %arg5[%add3A_781, %dma_start3A_790] : memref<512x50xi32, #tpu.memory_space<vmem>> -> memref<1x50xi32, #tpu.memory_space<vmem>>
        %dma_start3A_792 = tpu.memref_squeeze %dma_start3A_791 : memref<1x50xi32, #tpu.memory_space<vmem>> -> memref<50xi32, #tpu.memory_space<vmem>>
        %dma_start3A_793 = arith.constant 0 : i32
        %dma_start3A_794 = arith.constant 0 : i32
        %dma_start3A_795 = tpu.memref_slice %arg3[%dma_start3A_793, %dma_start3A_794] : memref<1000000x32xf32, #tpu.memory_space<hbm>> -> memref<1000000x32xf32, #tpu.memory_space<hbm>>
        %dma_start3A_796 = tpu.memref_slice %arg7[%sub3A_529] : memref<2x!tpu.dma_semaphore, #tpu.memory_space<semaphore_mem>> -> memref<1x!tpu.dma_semaphore, #tpu.memory_space<semaphore_mem>>
        %dma_start3A_797 = tpu.memref_squeeze %dma_start3A_796 : memref<1x!tpu.dma_semaphore, #tpu.memory_space<semaphore_mem>> -> memref<!tpu.dma_semaphore, #tpu.memory_space<semaphore_mem>>
        tpu.enqueue_indirect_dma source(%dma_start3A_795 : memref<1000000x32xf32, #tpu.memory_space<hbm>>) target(%dma_start3A_789 : memref<50x32xf32, #tpu.memory_space<vmem>>) offsets(%dma_start3A_792 : memref<50xi32, #tpu.memory_space<vmem>>) semaphore(%dma_start3A_797 : memref<!tpu.dma_semaphore, #tpu.memory_space<semaphore_mem>>)
        %mul3A_798 = arith.constant 32 : i32
        %mul3A_799 = arith.muli %add3A_577, %mul3A_798 : i32
        %add3A_800 = arith.constant 11 : i32
        %add3A_801 = arith.addi %mul3A_799, %add3A_800 : i32
        %mul3A_802 = arith.constant 32 : i32
        %mul3A_803 = arith.muli %sub3A_529, %mul3A_802 : i32
        %add3A_804 = arith.constant 11 : i32
        %add3A_805 = arith.addi %mul3A_803, %add3A_804 : i32
        %dma_start3A_806 = arith.constant 0 : i32
        %dma_start3A_807 = arith.constant 0 : i32
        %dma_start3A_808 = tpu.memref_slice %arg6[%add3A_805, %dma_start3A_806, %dma_start3A_807] : memref<64x50x32xf32, #tpu.memory_space<vmem>> -> memref<1x50x32xf32, #tpu.memory_space<vmem>>
        %dma_start3A_809 = tpu.memref_squeeze %dma_start3A_808 : memref<1x50x32xf32, #tpu.memory_space<vmem>> -> memref<50x32xf32, #tpu.memory_space<vmem>>
        %dma_start3A_810 = arith.constant 0 : i32
        %dma_start3A_811 = tpu.memref_slice %arg5[%add3A_801, %dma_start3A_810] : memref<512x50xi32, #tpu.memory_space<vmem>> -> memref<1x50xi32, #tpu.memory_space<vmem>>
        %dma_start3A_812 = tpu.memref_squeeze %dma_start3A_811 : memref<1x50xi32, #tpu.memory_space<vmem>> -> memref<50xi32, #tpu.memory_space<vmem>>
        %dma_start3A_813 = arith.constant 0 : i32
        %dma_start3A_814 = arith.constant 0 : i32
        %dma_start3A_815 = tpu.memref_slice %arg3[%dma_start3A_813, %dma_start3A_814] : memref<1000000x32xf32, #tpu.memory_space<hbm>> -> memref<1000000x32xf32, #tpu.memory_space<hbm>>
        %dma_start3A_816 = tpu.memref_slice %arg7[%sub3A_529] : memref<2x!tpu.dma_semaphore, #tpu.memory_space<semaphore_mem>> -> memref<1x!tpu.dma_semaphore, #tpu.memory_space<semaphore_mem>>
        %dma_start3A_817 = tpu.memref_squeeze %dma_start3A_816 : memref<1x!tpu.dma_semaphore, #tpu.memory_space<semaphore_mem>> -> memref<!tpu.dma_semaphore, #tpu.memory_space<semaphore_mem>>
        tpu.enqueue_indirect_dma source(%dma_start3A_815 : memref<1000000x32xf32, #tpu.memory_space<hbm>>) target(%dma_start3A_809 : memref<50x32xf32, #tpu.memory_space<vmem>>) offsets(%dma_start3A_812 : memref<50xi32, #tpu.memory_space<vmem>>) semaphore(%dma_start3A_817 : memref<!tpu.dma_semaphore, #tpu.memory_space<semaphore_mem>>)
        %mul3A_818 = arith.constant 32 : i32
        %mul3A_819 = arith.muli %add3A_577, %mul3A_818 : i32
        %add3A_820 = arith.constant 12 : i32
        %add3A_821 = arith.addi %mul3A_819, %add3A_820 : i32
        %mul3A_822 = arith.constant 32 : i32
        %mul3A_823 = arith.muli %sub3A_529, %mul3A_822 : i32
        %add3A_824 = arith.constant 12 : i32
        %add3A_825 = arith.addi %mul3A_823, %add3A_824 : i32
        %dma_start3A_826 = arith.constant 0 : i32
        %dma_start3A_827 = arith.constant 0 : i32
        %dma_start3A_828 = tpu.memref_slice %arg6[%add3A_825, %dma_start3A_826, %dma_start3A_827] : memref<64x50x32xf32, #tpu.memory_space<vmem>> -> memref<1x50x32xf32, #tpu.memory_space<vmem>>
        %dma_start3A_829 = tpu.memref_squeeze %dma_start3A_828 : memref<1x50x32xf32, #tpu.memory_space<vmem>> -> memref<50x32xf32, #tpu.memory_space<vmem>>
        %dma_start3A_830 = arith.constant 0 : i32
        %dma_start3A_831 = tpu.memref_slice %arg5[%add3A_821, %dma_start3A_830] : memref<512x50xi32, #tpu.memory_space<vmem>> -> memref<1x50xi32, #tpu.memory_space<vmem>>
        %dma_start3A_832 = tpu.memref_squeeze %dma_start3A_831 : memref<1x50xi32, #tpu.memory_space<vmem>> -> memref<50xi32, #tpu.memory_space<vmem>>
        %dma_start3A_833 = arith.constant 0 : i32
        %dma_start3A_834 = arith.constant 0 : i32
        %dma_start3A_835 = tpu.memref_slice %arg3[%dma_start3A_833, %dma_start3A_834] : memref<1000000x32xf32, #tpu.memory_space<hbm>> -> memref<1000000x32xf32, #tpu.memory_space<hbm>>
        %dma_start3A_836 = tpu.memref_slice %arg7[%sub3A_529] : memref<2x!tpu.dma_semaphore, #tpu.memory_space<semaphore_mem>> -> memref<1x!tpu.dma_semaphore, #tpu.memory_space<semaphore_mem>>
        %dma_start3A_837 = tpu.memref_squeeze %dma_start3A_836 : memref<1x!tpu.dma_semaphore, #tpu.memory_space<semaphore_mem>> -> memref<!tpu.dma_semaphore, #tpu.memory_space<semaphore_mem>>
        tpu.enqueue_indirect_dma source(%dma_start3A_835 : memref<1000000x32xf32, #tpu.memory_space<hbm>>) target(%dma_start3A_829 : memref<50x32xf32, #tpu.memory_space<vmem>>) offsets(%dma_start3A_832 : memref<50xi32, #tpu.memory_space<vmem>>) semaphore(%dma_start3A_837 : memref<!tpu.dma_semaphore, #tpu.memory_space<semaphore_mem>>)
        %mul3A_838 = arith.constant 32 : i32
        %mul3A_839 = arith.muli %add3A_577, %mul3A_838 : i32
        %add3A_840 = arith.constant 13 : i32
        %add3A_841 = arith.addi %mul3A_839, %add3A_840 : i32
        %mul3A_842 = arith.constant 32 : i32
        %mul3A_843 = arith.muli %sub3A_529, %mul3A_842 : i32
        %add3A_844 = arith.constant 13 : i32
        %add3A_845 = arith.addi %mul3A_843, %add3A_844 : i32
        %dma_start3A_846 = arith.constant 0 : i32
        %dma_start3A_847 = arith.constant 0 : i32
        %dma_start3A_848 = tpu.memref_slice %arg6[%add3A_845, %dma_start3A_846, %dma_start3A_847] : memref<64x50x32xf32, #tpu.memory_space<vmem>> -> memref<1x50x32xf32, #tpu.memory_space<vmem>>
        %dma_start3A_849 = tpu.memref_squeeze %dma_start3A_848 : memref<1x50x32xf32, #tpu.memory_space<vmem>> -> memref<50x32xf32, #tpu.memory_space<vmem>>
        %dma_start3A_850 = arith.constant 0 : i32
        %dma_start3A_851 = tpu.memref_slice %arg5[%add3A_841, %dma_start3A_850] : memref<512x50xi32, #tpu.memory_space<vmem>> -> memref<1x50xi32, #tpu.memory_space<vmem>>
        %dma_start3A_852 = tpu.memref_squeeze %dma_start3A_851 : memref<1x50xi32, #tpu.memory_space<vmem>> -> memref<50xi32, #tpu.memory_space<vmem>>
        %dma_start3A_853 = arith.constant 0 : i32
        %dma_start3A_854 = arith.constant 0 : i32
        %dma_start3A_855 = tpu.memref_slice %arg3[%dma_start3A_853, %dma_start3A_854] : memref<1000000x32xf32, #tpu.memory_space<hbm>> -> memref<1000000x32xf32, #tpu.memory_space<hbm>>
        %dma_start3A_856 = tpu.memref_slice %arg7[%sub3A_529] : memref<2x!tpu.dma_semaphore, #tpu.memory_space<semaphore_mem>> -> memref<1x!tpu.dma_semaphore, #tpu.memory_space<semaphore_mem>>
        %dma_start3A_857 = tpu.memref_squeeze %dma_start3A_856 : memref<1x!tpu.dma_semaphore, #tpu.memory_space<semaphore_mem>> -> memref<!tpu.dma_semaphore, #tpu.memory_space<semaphore_mem>>
        tpu.enqueue_indirect_dma source(%dma_start3A_855 : memref<1000000x32xf32, #tpu.memory_space<hbm>>) target(%dma_start3A_849 : memref<50x32xf32, #tpu.memory_space<vmem>>) offsets(%dma_start3A_852 : memref<50xi32, #tpu.memory_space<vmem>>) semaphore(%dma_start3A_857 : memref<!tpu.dma_semaphore, #tpu.memory_space<semaphore_mem>>)
        %mul3A_858 = arith.constant 32 : i32
        %mul3A_859 = arith.muli %add3A_577, %mul3A_858 : i32
        %add3A_860 = arith.constant 14 : i32
        %add3A_861 = arith.addi %mul3A_859, %add3A_860 : i32
        %mul3A_862 = arith.constant 32 : i32
        %mul3A_863 = arith.muli %sub3A_529, %mul3A_862 : i32
        %add3A_864 = arith.constant 14 : i32
        %add3A_865 = arith.addi %mul3A_863, %add3A_864 : i32
        %dma_start3A_866 = arith.constant 0 : i32
        %dma_start3A_867 = arith.constant 0 : i32
        %dma_start3A_868 = tpu.memref_slice %arg6[%add3A_865, %dma_start3A_866, %dma_start3A_867] : memref<64x50x32xf32, #tpu.memory_space<vmem>> -> memref<1x50x32xf32, #tpu.memory_space<vmem>>
        %dma_start3A_869 = tpu.memref_squeeze %dma_start3A_868 : memref<1x50x32xf32, #tpu.memory_space<vmem>> -> memref<50x32xf32, #tpu.memory_space<vmem>>
        %dma_start3A_870 = arith.constant 0 : i32
        %dma_start3A_871 = tpu.memref_slice %arg5[%add3A_861, %dma_start3A_870] : memref<512x50xi32, #tpu.memory_space<vmem>> -> memref<1x50xi32, #tpu.memory_space<vmem>>
        %dma_start3A_872 = tpu.memref_squeeze %dma_start3A_871 : memref<1x50xi32, #tpu.memory_space<vmem>> -> memref<50xi32, #tpu.memory_space<vmem>>
        %dma_start3A_873 = arith.constant 0 : i32
        %dma_start3A_874 = arith.constant 0 : i32
        %dma_start3A_875 = tpu.memref_slice %arg3[%dma_start3A_873, %dma_start3A_874] : memref<1000000x32xf32, #tpu.memory_space<hbm>> -> memref<1000000x32xf32, #tpu.memory_space<hbm>>
        %dma_start3A_876 = tpu.memref_slice %arg7[%sub3A_529] : memref<2x!tpu.dma_semaphore, #tpu.memory_space<semaphore_mem>> -> memref<1x!tpu.dma_semaphore, #tpu.memory_space<semaphore_mem>>
        %dma_start3A_877 = tpu.memref_squeeze %dma_start3A_876 : memref<1x!tpu.dma_semaphore, #tpu.memory_space<semaphore_mem>> -> memref<!tpu.dma_semaphore, #tpu.memory_space<semaphore_mem>>
        tpu.enqueue_indirect_dma source(%dma_start3A_875 : memref<1000000x32xf32, #tpu.memory_space<hbm>>) target(%dma_start3A_869 : memref<50x32xf32, #tpu.memory_space<vmem>>) offsets(%dma_start3A_872 : memref<50xi32, #tpu.memory_space<vmem>>) semaphore(%dma_start3A_877 : memref<!tpu.dma_semaphore, #tpu.memory_space<semaphore_mem>>)
        %mul3A_878 = arith.constant 32 : i32
        %mul3A_879 = arith.muli %add3A_577, %mul3A_878 : i32
        %add3A_880 = arith.constant 15 : i32
        %add3A_881 = arith.addi %mul3A_879, %add3A_880 : i32
        %mul3A_882 = arith.constant 32 : i32
        %mul3A_883 = arith.muli %sub3A_529, %mul3A_882 : i32
        %add3A_884 = arith.constant 15 : i32
        %add3A_885 = arith.addi %mul3A_883, %add3A_884 : i32
        %dma_start3A_886 = arith.constant 0 : i32
        %dma_start3A_887 = arith.constant 0 : i32
        %dma_start3A_888 = tpu.memref_slice %arg6[%add3A_885, %dma_start3A_886, %dma_start3A_887] : memref<64x50x32xf32, #tpu.memory_space<vmem>> -> memref<1x50x32xf32, #tpu.memory_space<vmem>>
        %dma_start3A_889 = tpu.memref_squeeze %dma_start3A_888 : memref<1x50x32xf32, #tpu.memory_space<vmem>> -> memref<50x32xf32, #tpu.memory_space<vmem>>
        %dma_start3A_890 = arith.constant 0 : i32
        %dma_start3A_891 = tpu.memref_slice %arg5[%add3A_881, %dma_start3A_890] : memref<512x50xi32, #tpu.memory_space<vmem>> -> memref<1x50xi32, #tpu.memory_space<vmem>>
        %dma_start3A_892 = tpu.memref_squeeze %dma_start3A_891 : memref<1x50xi32, #tpu.memory_space<vmem>> -> memref<50xi32, #tpu.memory_space<vmem>>
        %dma_start3A_893 = arith.constant 0 : i32
        %dma_start3A_894 = arith.constant 0 : i32
        %dma_start3A_895 = tpu.memref_slice %arg3[%dma_start3A_893, %dma_start3A_894] : memref<1000000x32xf32, #tpu.memory_space<hbm>> -> memref<1000000x32xf32, #tpu.memory_space<hbm>>
        %dma_start3A_896 = tpu.memref_slice %arg7[%sub3A_529] : memref<2x!tpu.dma_semaphore, #tpu.memory_space<semaphore_mem>> -> memref<1x!tpu.dma_semaphore, #tpu.memory_space<semaphore_mem>>
        %dma_start3A_897 = tpu.memref_squeeze %dma_start3A_896 : memref<1x!tpu.dma_semaphore, #tpu.memory_space<semaphore_mem>> -> memref<!tpu.dma_semaphore, #tpu.memory_space<semaphore_mem>>
        tpu.enqueue_indirect_dma source(%dma_start3A_895 : memref<1000000x32xf32, #tpu.memory_space<hbm>>) target(%dma_start3A_889 : memref<50x32xf32, #tpu.memory_space<vmem>>) offsets(%dma_start3A_892 : memref<50xi32, #tpu.memory_space<vmem>>) semaphore(%dma_start3A_897 : memref<!tpu.dma_semaphore, #tpu.memory_space<semaphore_mem>>)
        %mul3A_898 = arith.constant 32 : i32
        %mul3A_899 = arith.muli %add3A_577, %mul3A_898 : i32
        %add3A_900 = arith.constant 16 : i32
        %add3A_901 = arith.addi %mul3A_899, %add3A_900 : i32
        %mul3A_902 = arith.constant 32 : i32
        %mul3A_903 = arith.muli %sub3A_529, %mul3A_902 : i32
        %add3A_904 = arith.constant 16 : i32
        %add3A_905 = arith.addi %mul3A_903, %add3A_904 : i32
        %dma_start3A_906 = arith.constant 0 : i32
        %dma_start3A_907 = arith.constant 0 : i32
        %dma_start3A_908 = tpu.memref_slice %arg6[%add3A_905, %dma_start3A_906, %dma_start3A_907] : memref<64x50x32xf32, #tpu.memory_space<vmem>> -> memref<1x50x32xf32, #tpu.memory_space<vmem>>
        %dma_start3A_909 = tpu.memref_squeeze %dma_start3A_908 : memref<1x50x32xf32, #tpu.memory_space<vmem>> -> memref<50x32xf32, #tpu.memory_space<vmem>>
        %dma_start3A_910 = arith.constant 0 : i32
        %dma_start3A_911 = tpu.memref_slice %arg5[%add3A_901, %dma_start3A_910] : memref<512x50xi32, #tpu.memory_space<vmem>> -> memref<1x50xi32, #tpu.memory_space<vmem>>
        %dma_start3A_912 = tpu.memref_squeeze %dma_start3A_911 : memref<1x50xi32, #tpu.memory_space<vmem>> -> memref<50xi32, #tpu.memory_space<vmem>>
        %dma_start3A_913 = arith.constant 0 : i32
        %dma_start3A_914 = arith.constant 0 : i32
        %dma_start3A_915 = tpu.memref_slice %arg3[%dma_start3A_913, %dma_start3A_914] : memref<1000000x32xf32, #tpu.memory_space<hbm>> -> memref<1000000x32xf32, #tpu.memory_space<hbm>>
        %dma_start3A_916 = tpu.memref_slice %arg7[%sub3A_529] : memref<2x!tpu.dma_semaphore, #tpu.memory_space<semaphore_mem>> -> memref<1x!tpu.dma_semaphore, #tpu.memory_space<semaphore_mem>>
        %dma_start3A_917 = tpu.memref_squeeze %dma_start3A_916 : memref<1x!tpu.dma_semaphore, #tpu.memory_space<semaphore_mem>> -> memref<!tpu.dma_semaphore, #tpu.memory_space<semaphore_mem>>
        tpu.enqueue_indirect_dma source(%dma_start3A_915 : memref<1000000x32xf32, #tpu.memory_space<hbm>>) target(%dma_start3A_909 : memref<50x32xf32, #tpu.memory_space<vmem>>) offsets(%dma_start3A_912 : memref<50xi32, #tpu.memory_space<vmem>>) semaphore(%dma_start3A_917 : memref<!tpu.dma_semaphore, #tpu.memory_space<semaphore_mem>>)
        %mul3A_918 = arith.constant 32 : i32
        %mul3A_919 = arith.muli %add3A_577, %mul3A_918 : i32
        %add3A_920 = arith.constant 17 : i32
        %add3A_921 = arith.addi %mul3A_919, %add3A_920 : i32
        %mul3A_922 = arith.constant 32 : i32
        %mul3A_923 = arith.muli %sub3A_529, %mul3A_922 : i32
        %add3A_924 = arith.constant 17 : i32
        %add3A_925 = arith.addi %mul3A_923, %add3A_924 : i32
        %dma_start3A_926 = arith.constant 0 : i32
        %dma_start3A_927 = arith.constant 0 : i32
        %dma_start3A_928 = tpu.memref_slice %arg6[%add3A_925, %dma_start3A_926, %dma_start3A_927] : memref<64x50x32xf32, #tpu.memory_space<vmem>> -> memref<1x50x32xf32, #tpu.memory_space<vmem>>
        %dma_start3A_929 = tpu.memref_squeeze %dma_start3A_928 : memref<1x50x32xf32, #tpu.memory_space<vmem>> -> memref<50x32xf32, #tpu.memory_space<vmem>>
        %dma_start3A_930 = arith.constant 0 : i32
        %dma_start3A_931 = tpu.memref_slice %arg5[%add3A_921, %dma_start3A_930] : memref<512x50xi32, #tpu.memory_space<vmem>> -> memref<1x50xi32, #tpu.memory_space<vmem>>
        %dma_start3A_932 = tpu.memref_squeeze %dma_start3A_931 : memref<1x50xi32, #tpu.memory_space<vmem>> -> memref<50xi32, #tpu.memory_space<vmem>>
        %dma_start3A_933 = arith.constant 0 : i32
        %dma_start3A_934 = arith.constant 0 : i32
        %dma_start3A_935 = tpu.memref_slice %arg3[%dma_start3A_933, %dma_start3A_934] : memref<1000000x32xf32, #tpu.memory_space<hbm>> -> memref<1000000x32xf32, #tpu.memory_space<hbm>>
        %dma_start3A_936 = tpu.memref_slice %arg7[%sub3A_529] : memref<2x!tpu.dma_semaphore, #tpu.memory_space<semaphore_mem>> -> memref<1x!tpu.dma_semaphore, #tpu.memory_space<semaphore_mem>>
        %dma_start3A_937 = tpu.memref_squeeze %dma_start3A_936 : memref<1x!tpu.dma_semaphore, #tpu.memory_space<semaphore_mem>> -> memref<!tpu.dma_semaphore, #tpu.memory_space<semaphore_mem>>
        tpu.enqueue_indirect_dma source(%dma_start3A_935 : memref<1000000x32xf32, #tpu.memory_space<hbm>>) target(%dma_start3A_929 : memref<50x32xf32, #tpu.memory_space<vmem>>) offsets(%dma_start3A_932 : memref<50xi32, #tpu.memory_space<vmem>>) semaphore(%dma_start3A_937 : memref<!tpu.dma_semaphore, #tpu.memory_space<semaphore_mem>>)
        %mul3A_938 = arith.constant 32 : i32
        %mul3A_939 = arith.muli %add3A_577, %mul3A_938 : i32
        %add3A_940 = arith.constant 18 : i32
        %add3A_941 = arith.addi %mul3A_939, %add3A_940 : i32
        %mul3A_942 = arith.constant 32 : i32
        %mul3A_943 = arith.muli %sub3A_529, %mul3A_942 : i32
        %add3A_944 = arith.constant 18 : i32
        %add3A_945 = arith.addi %mul3A_943, %add3A_944 : i32
        %dma_start3A_946 = arith.constant 0 : i32
        %dma_start3A_947 = arith.constant 0 : i32
        %dma_start3A_948 = tpu.memref_slice %arg6[%add3A_945, %dma_start3A_946, %dma_start3A_947] : memref<64x50x32xf32, #tpu.memory_space<vmem>> -> memref<1x50x32xf32, #tpu.memory_space<vmem>>
        %dma_start3A_949 = tpu.memref_squeeze %dma_start3A_948 : memref<1x50x32xf32, #tpu.memory_space<vmem>> -> memref<50x32xf32, #tpu.memory_space<vmem>>
        %dma_start3A_950 = arith.constant 0 : i32
        %dma_start3A_951 = tpu.memref_slice %arg5[%add3A_941, %dma_start3A_950] : memref<512x50xi32, #tpu.memory_space<vmem>> -> memref<1x50xi32, #tpu.memory_space<vmem>>
        %dma_start3A_952 = tpu.memref_squeeze %dma_start3A_951 : memref<1x50xi32, #tpu.memory_space<vmem>> -> memref<50xi32, #tpu.memory_space<vmem>>
        %dma_start3A_953 = arith.constant 0 : i32
        %dma_start3A_954 = arith.constant 0 : i32
        %dma_start3A_955 = tpu.memref_slice %arg3[%dma_start3A_953, %dma_start3A_954] : memref<1000000x32xf32, #tpu.memory_space<hbm>> -> memref<1000000x32xf32, #tpu.memory_space<hbm>>
        %dma_start3A_956 = tpu.memref_slice %arg7[%sub3A_529] : memref<2x!tpu.dma_semaphore, #tpu.memory_space<semaphore_mem>> -> memref<1x!tpu.dma_semaphore, #tpu.memory_space<semaphore_mem>>
        %dma_start3A_957 = tpu.memref_squeeze %dma_start3A_956 : memref<1x!tpu.dma_semaphore, #tpu.memory_space<semaphore_mem>> -> memref<!tpu.dma_semaphore, #tpu.memory_space<semaphore_mem>>
        tpu.enqueue_indirect_dma source(%dma_start3A_955 : memref<1000000x32xf32, #tpu.memory_space<hbm>>) target(%dma_start3A_949 : memref<50x32xf32, #tpu.memory_space<vmem>>) offsets(%dma_start3A_952 : memref<50xi32, #tpu.memory_space<vmem>>) semaphore(%dma_start3A_957 : memref<!tpu.dma_semaphore, #tpu.memory_space<semaphore_mem>>)
        %mul3A_958 = arith.constant 32 : i32
        %mul3A_959 = arith.muli %add3A_577, %mul3A_958 : i32
        %add3A_960 = arith.constant 19 : i32
        %add3A_961 = arith.addi %mul3A_959, %add3A_960 : i32
        %mul3A_962 = arith.constant 32 : i32
        %mul3A_963 = arith.muli %sub3A_529, %mul3A_962 : i32
        %add3A_964 = arith.constant 19 : i32
        %add3A_965 = arith.addi %mul3A_963, %add3A_964 : i32
        %dma_start3A_966 = arith.constant 0 : i32
        %dma_start3A_967 = arith.constant 0 : i32
        %dma_start3A_968 = tpu.memref_slice %arg6[%add3A_965, %dma_start3A_966, %dma_start3A_967] : memref<64x50x32xf32, #tpu.memory_space<vmem>> -> memref<1x50x32xf32, #tpu.memory_space<vmem>>
        %dma_start3A_969 = tpu.memref_squeeze %dma_start3A_968 : memref<1x50x32xf32, #tpu.memory_space<vmem>> -> memref<50x32xf32, #tpu.memory_space<vmem>>
        %dma_start3A_970 = arith.constant 0 : i32
        %dma_start3A_971 = tpu.memref_slice %arg5[%add3A_961, %dma_start3A_970] : memref<512x50xi32, #tpu.memory_space<vmem>> -> memref<1x50xi32, #tpu.memory_space<vmem>>
        %dma_start3A_972 = tpu.memref_squeeze %dma_start3A_971 : memref<1x50xi32, #tpu.memory_space<vmem>> -> memref<50xi32, #tpu.memory_space<vmem>>
        %dma_start3A_973 = arith.constant 0 : i32
        %dma_start3A_974 = arith.constant 0 : i32
        %dma_start3A_975 = tpu.memref_slice %arg3[%dma_start3A_973, %dma_start3A_974] : memref<1000000x32xf32, #tpu.memory_space<hbm>> -> memref<1000000x32xf32, #tpu.memory_space<hbm>>
        %dma_start3A_976 = tpu.memref_slice %arg7[%sub3A_529] : memref<2x!tpu.dma_semaphore, #tpu.memory_space<semaphore_mem>> -> memref<1x!tpu.dma_semaphore, #tpu.memory_space<semaphore_mem>>
        %dma_start3A_977 = tpu.memref_squeeze %dma_start3A_976 : memref<1x!tpu.dma_semaphore, #tpu.memory_space<semaphore_mem>> -> memref<!tpu.dma_semaphore, #tpu.memory_space<semaphore_mem>>
        tpu.enqueue_indirect_dma source(%dma_start3A_975 : memref<1000000x32xf32, #tpu.memory_space<hbm>>) target(%dma_start3A_969 : memref<50x32xf32, #tpu.memory_space<vmem>>) offsets(%dma_start3A_972 : memref<50xi32, #tpu.memory_space<vmem>>) semaphore(%dma_start3A_977 : memref<!tpu.dma_semaphore, #tpu.memory_space<semaphore_mem>>)
        %mul3A_978 = arith.constant 32 : i32
        %mul3A_979 = arith.muli %add3A_577, %mul3A_978 : i32
        %add3A_980 = arith.constant 20 : i32
        %add3A_981 = arith.addi %mul3A_979, %add3A_980 : i32
        %mul3A_982 = arith.constant 32 : i32
        %mul3A_983 = arith.muli %sub3A_529, %mul3A_982 : i32
        %add3A_984 = arith.constant 20 : i32
        %add3A_985 = arith.addi %mul3A_983, %add3A_984 : i32
        %dma_start3A_986 = arith.constant 0 : i32
        %dma_start3A_987 = arith.constant 0 : i32
        %dma_start3A_988 = tpu.memref_slice %arg6[%add3A_985, %dma_start3A_986, %dma_start3A_987] : memref<64x50x32xf32, #tpu.memory_space<vmem>> -> memref<1x50x32xf32, #tpu.memory_space<vmem>>
        %dma_start3A_989 = tpu.memref_squeeze %dma_start3A_988 : memref<1x50x32xf32, #tpu.memory_space<vmem>> -> memref<50x32xf32, #tpu.memory_space<vmem>>
        %dma_start3A_990 = arith.constant 0 : i32
        %dma_start3A_991 = tpu.memref_slice %arg5[%add3A_981, %dma_start3A_990] : memref<512x50xi32, #tpu.memory_space<vmem>> -> memref<1x50xi32, #tpu.memory_space<vmem>>
        %dma_start3A_992 = tpu.memref_squeeze %dma_start3A_991 : memref<1x50xi32, #tpu.memory_space<vmem>> -> memref<50xi32, #tpu.memory_space<vmem>>
        %dma_start3A_993 = arith.constant 0 : i32
        %dma_start3A_994 = arith.constant 0 : i32
        %dma_start3A_995 = tpu.memref_slice %arg3[%dma_start3A_993, %dma_start3A_994] : memref<1000000x32xf32, #tpu.memory_space<hbm>> -> memref<1000000x32xf32, #tpu.memory_space<hbm>>
        %dma_start3A_996 = tpu.memref_slice %arg7[%sub3A_529] : memref<2x!tpu.dma_semaphore, #tpu.memory_space<semaphore_mem>> -> memref<1x!tpu.dma_semaphore, #tpu.memory_space<semaphore_mem>>
        %dma_start3A_997 = tpu.memref_squeeze %dma_start3A_996 : memref<1x!tpu.dma_semaphore, #tpu.memory_space<semaphore_mem>> -> memref<!tpu.dma_semaphore, #tpu.memory_space<semaphore_mem>>
        tpu.enqueue_indirect_dma source(%dma_start3A_995 : memref<1000000x32xf32, #tpu.memory_space<hbm>>) target(%dma_start3A_989 : memref<50x32xf32, #tpu.memory_space<vmem>>) offsets(%dma_start3A_992 : memref<50xi32, #tpu.memory_space<vmem>>) semaphore(%dma_start3A_997 : memref<!tpu.dma_semaphore, #tpu.memory_space<semaphore_mem>>)
        %mul3A_998 = arith.constant 32 : i32
        %mul3A_999 = arith.muli %add3A_577, %mul3A_998 : i32
        %add3A_1000 = arith.constant 21 : i32
        %add3A_1001 = arith.addi %mul3A_999, %add3A_1000 : i32
        %mul3A_1002 = arith.constant 32 : i32
        %mul3A_1003 = arith.muli %sub3A_529, %mul3A_1002 : i32
        %add3A_1004 = arith.constant 21 : i32
        %add3A_1005 = arith.addi %mul3A_1003, %add3A_1004 : i32
        %dma_start3A_1006 = arith.constant 0 : i32
        %dma_start3A_1007 = arith.constant 0 : i32
        %dma_start3A_1008 = tpu.memref_slice %arg6[%add3A_1005, %dma_start3A_1006, %dma_start3A_1007] : memref<64x50x32xf32, #tpu.memory_space<vmem>> -> memref<1x50x32xf32, #tpu.memory_space<vmem>>
        %dma_start3A_1009 = tpu.memref_squeeze %dma_start3A_1008 : memref<1x50x32xf32, #tpu.memory_space<vmem>> -> memref<50x32xf32, #tpu.memory_space<vmem>>
        %dma_start3A_1010 = arith.constant 0 : i32
        %dma_start3A_1011 = tpu.memref_slice %arg5[%add3A_1001, %dma_start3A_1010] : memref<512x50xi32, #tpu.memory_space<vmem>> -> memref<1x50xi32, #tpu.memory_space<vmem>>
        %dma_start3A_1012 = tpu.memref_squeeze %dma_start3A_1011 : memref<1x50xi32, #tpu.memory_space<vmem>> -> memref<50xi32, #tpu.memory_space<vmem>>
        %dma_start3A_1013 = arith.constant 0 : i32
        %dma_start3A_1014 = arith.constant 0 : i32
        %dma_start3A_1015 = tpu.memref_slice %arg3[%dma_start3A_1013, %dma_start3A_1014] : memref<1000000x32xf32, #tpu.memory_space<hbm>> -> memref<1000000x32xf32, #tpu.memory_space<hbm>>
        %dma_start3A_1016 = tpu.memref_slice %arg7[%sub3A_529] : memref<2x!tpu.dma_semaphore, #tpu.memory_space<semaphore_mem>> -> memref<1x!tpu.dma_semaphore, #tpu.memory_space<semaphore_mem>>
        %dma_start3A_1017 = tpu.memref_squeeze %dma_start3A_1016 : memref<1x!tpu.dma_semaphore, #tpu.memory_space<semaphore_mem>> -> memref<!tpu.dma_semaphore, #tpu.memory_space<semaphore_mem>>
        tpu.enqueue_indirect_dma source(%dma_start3A_1015 : memref<1000000x32xf32, #tpu.memory_space<hbm>>) target(%dma_start3A_1009 : memref<50x32xf32, #tpu.memory_space<vmem>>) offsets(%dma_start3A_1012 : memref<50xi32, #tpu.memory_space<vmem>>) semaphore(%dma_start3A_1017 : memref<!tpu.dma_semaphore, #tpu.memory_space<semaphore_mem>>)
        %mul3A_1018 = arith.constant 32 : i32
        %mul3A_1019 = arith.muli %add3A_577, %mul3A_1018 : i32
        %add3A_1020 = arith.constant 22 : i32
        %add3A_1021 = arith.addi %mul3A_1019, %add3A_1020 : i32
        %mul3A_1022 = arith.constant 32 : i32
        %mul3A_1023 = arith.muli %sub3A_529, %mul3A_1022 : i32
        %add3A_1024 = arith.constant 22 : i32
        %add3A_1025 = arith.addi %mul3A_1023, %add3A_1024 : i32
        %dma_start3A_1026 = arith.constant 0 : i32
        %dma_start3A_1027 = arith.constant 0 : i32
        %dma_start3A_1028 = tpu.memref_slice %arg6[%add3A_1025, %dma_start3A_1026, %dma_start3A_1027] : memref<64x50x32xf32, #tpu.memory_space<vmem>> -> memref<1x50x32xf32, #tpu.memory_space<vmem>>
        %dma_start3A_1029 = tpu.memref_squeeze %dma_start3A_1028 : memref<1x50x32xf32, #tpu.memory_space<vmem>> -> memref<50x32xf32, #tpu.memory_space<vmem>>
        %dma_start3A_1030 = arith.constant 0 : i32
        %dma_start3A_1031 = tpu.memref_slice %arg5[%add3A_1021, %dma_start3A_1030] : memref<512x50xi32, #tpu.memory_space<vmem>> -> memref<1x50xi32, #tpu.memory_space<vmem>>
        %dma_start3A_1032 = tpu.memref_squeeze %dma_start3A_1031 : memref<1x50xi32, #tpu.memory_space<vmem>> -> memref<50xi32, #tpu.memory_space<vmem>>
        %dma_start3A_1033 = arith.constant 0 : i32
        %dma_start3A_1034 = arith.constant 0 : i32
        %dma_start3A_1035 = tpu.memref_slice %arg3[%dma_start3A_1033, %dma_start3A_1034] : memref<1000000x32xf32, #tpu.memory_space<hbm>> -> memref<1000000x32xf32, #tpu.memory_space<hbm>>
        %dma_start3A_1036 = tpu.memref_slice %arg7[%sub3A_529] : memref<2x!tpu.dma_semaphore, #tpu.memory_space<semaphore_mem>> -> memref<1x!tpu.dma_semaphore, #tpu.memory_space<semaphore_mem>>
        %dma_start3A_1037 = tpu.memref_squeeze %dma_start3A_1036 : memref<1x!tpu.dma_semaphore, #tpu.memory_space<semaphore_mem>> -> memref<!tpu.dma_semaphore, #tpu.memory_space<semaphore_mem>>
        tpu.enqueue_indirect_dma source(%dma_start3A_1035 : memref<1000000x32xf32, #tpu.memory_space<hbm>>) target(%dma_start3A_1029 : memref<50x32xf32, #tpu.memory_space<vmem>>) offsets(%dma_start3A_1032 : memref<50xi32, #tpu.memory_space<vmem>>) semaphore(%dma_start3A_1037 : memref<!tpu.dma_semaphore, #tpu.memory_space<semaphore_mem>>)
        %mul3A_1038 = arith.constant 32 : i32
        %mul3A_1039 = arith.muli %add3A_577, %mul3A_1038 : i32
        %add3A_1040 = arith.constant 23 : i32
        %add3A_1041 = arith.addi %mul3A_1039, %add3A_1040 : i32
        %mul3A_1042 = arith.constant 32 : i32
        %mul3A_1043 = arith.muli %sub3A_529, %mul3A_1042 : i32
        %add3A_1044 = arith.constant 23 : i32
        %add3A_1045 = arith.addi %mul3A_1043, %add3A_1044 : i32
        %dma_start3A_1046 = arith.constant 0 : i32
        %dma_start3A_1047 = arith.constant 0 : i32
        %dma_start3A_1048 = tpu.memref_slice %arg6[%add3A_1045, %dma_start3A_1046, %dma_start3A_1047] : memref<64x50x32xf32, #tpu.memory_space<vmem>> -> memref<1x50x32xf32, #tpu.memory_space<vmem>>
        %dma_start3A_1049 = tpu.memref_squeeze %dma_start3A_1048 : memref<1x50x32xf32, #tpu.memory_space<vmem>> -> memref<50x32xf32, #tpu.memory_space<vmem>>
        %dma_start3A_1050 = arith.constant 0 : i32
        %dma_start3A_1051 = tpu.memref_slice %arg5[%add3A_1041, %dma_start3A_1050] : memref<512x50xi32, #tpu.memory_space<vmem>> -> memref<1x50xi32, #tpu.memory_space<vmem>>
        %dma_start3A_1052 = tpu.memref_squeeze %dma_start3A_1051 : memref<1x50xi32, #tpu.memory_space<vmem>> -> memref<50xi32, #tpu.memory_space<vmem>>
        %dma_start3A_1053 = arith.constant 0 : i32
        %dma_start3A_1054 = arith.constant 0 : i32
        %dma_start3A_1055 = tpu.memref_slice %arg3[%dma_start3A_1053, %dma_start3A_1054] : memref<1000000x32xf32, #tpu.memory_space<hbm>> -> memref<1000000x32xf32, #tpu.memory_space<hbm>>
        %dma_start3A_1056 = tpu.memref_slice %arg7[%sub3A_529] : memref<2x!tpu.dma_semaphore, #tpu.memory_space<semaphore_mem>> -> memref<1x!tpu.dma_semaphore, #tpu.memory_space<semaphore_mem>>
        %dma_start3A_1057 = tpu.memref_squeeze %dma_start3A_1056 : memref<1x!tpu.dma_semaphore, #tpu.memory_space<semaphore_mem>> -> memref<!tpu.dma_semaphore, #tpu.memory_space<semaphore_mem>>
        tpu.enqueue_indirect_dma source(%dma_start3A_1055 : memref<1000000x32xf32, #tpu.memory_space<hbm>>) target(%dma_start3A_1049 : memref<50x32xf32, #tpu.memory_space<vmem>>) offsets(%dma_start3A_1052 : memref<50xi32, #tpu.memory_space<vmem>>) semaphore(%dma_start3A_1057 : memref<!tpu.dma_semaphore, #tpu.memory_space<semaphore_mem>>)
        %mul3A_1058 = arith.constant 32 : i32
        %mul3A_1059 = arith.muli %add3A_577, %mul3A_1058 : i32
        %add3A_1060 = arith.constant 24 : i32
        %add3A_1061 = arith.addi %mul3A_1059, %add3A_1060 : i32
        %mul3A_1062 = arith.constant 32 : i32
        %mul3A_1063 = arith.muli %sub3A_529, %mul3A_1062 : i32
        %add3A_1064 = arith.constant 24 : i32
        %add3A_1065 = arith.addi %mul3A_1063, %add3A_1064 : i32
        %dma_start3A_1066 = arith.constant 0 : i32
        %dma_start3A_1067 = arith.constant 0 : i32
        %dma_start3A_1068 = tpu.memref_slice %arg6[%add3A_1065, %dma_start3A_1066, %dma_start3A_1067] : memref<64x50x32xf32, #tpu.memory_space<vmem>> -> memref<1x50x32xf32, #tpu.memory_space<vmem>>
        %dma_start3A_1069 = tpu.memref_squeeze %dma_start3A_1068 : memref<1x50x32xf32, #tpu.memory_space<vmem>> -> memref<50x32xf32, #tpu.memory_space<vmem>>
        %dma_start3A_1070 = arith.constant 0 : i32
        %dma_start3A_1071 = tpu.memref_slice %arg5[%add3A_1061, %dma_start3A_1070] : memref<512x50xi32, #tpu.memory_space<vmem>> -> memref<1x50xi32, #tpu.memory_space<vmem>>
        %dma_start3A_1072 = tpu.memref_squeeze %dma_start3A_1071 : memref<1x50xi32, #tpu.memory_space<vmem>> -> memref<50xi32, #tpu.memory_space<vmem>>
        %dma_start3A_1073 = arith.constant 0 : i32
        %dma_start3A_1074 = arith.constant 0 : i32
        %dma_start3A_1075 = tpu.memref_slice %arg3[%dma_start3A_1073, %dma_start3A_1074] : memref<1000000x32xf32, #tpu.memory_space<hbm>> -> memref<1000000x32xf32, #tpu.memory_space<hbm>>
        %dma_start3A_1076 = tpu.memref_slice %arg7[%sub3A_529] : memref<2x!tpu.dma_semaphore, #tpu.memory_space<semaphore_mem>> -> memref<1x!tpu.dma_semaphore, #tpu.memory_space<semaphore_mem>>
        %dma_start3A_1077 = tpu.memref_squeeze %dma_start3A_1076 : memref<1x!tpu.dma_semaphore, #tpu.memory_space<semaphore_mem>> -> memref<!tpu.dma_semaphore, #tpu.memory_space<semaphore_mem>>
        tpu.enqueue_indirect_dma source(%dma_start3A_1075 : memref<1000000x32xf32, #tpu.memory_space<hbm>>) target(%dma_start3A_1069 : memref<50x32xf32, #tpu.memory_space<vmem>>) offsets(%dma_start3A_1072 : memref<50xi32, #tpu.memory_space<vmem>>) semaphore(%dma_start3A_1077 : memref<!tpu.dma_semaphore, #tpu.memory_space<semaphore_mem>>)
        %mul3A_1078 = arith.constant 32 : i32
        %mul3A_1079 = arith.muli %add3A_577, %mul3A_1078 : i32
        %add3A_1080 = arith.constant 25 : i32
        %add3A_1081 = arith.addi %mul3A_1079, %add3A_1080 : i32
        %mul3A_1082 = arith.constant 32 : i32
        %mul3A_1083 = arith.muli %sub3A_529, %mul3A_1082 : i32
        %add3A_1084 = arith.constant 25 : i32
        %add3A_1085 = arith.addi %mul3A_1083, %add3A_1084 : i32
        %dma_start3A_1086 = arith.constant 0 : i32
        %dma_start3A_1087 = arith.constant 0 : i32
        %dma_start3A_1088 = tpu.memref_slice %arg6[%add3A_1085, %dma_start3A_1086, %dma_start3A_1087] : memref<64x50x32xf32, #tpu.memory_space<vmem>> -> memref<1x50x32xf32, #tpu.memory_space<vmem>>
        %dma_start3A_1089 = tpu.memref_squeeze %dma_start3A_1088 : memref<1x50x32xf32, #tpu.memory_space<vmem>> -> memref<50x32xf32, #tpu.memory_space<vmem>>
        %dma_start3A_1090 = arith.constant 0 : i32
        %dma_start3A_1091 = tpu.memref_slice %arg5[%add3A_1081, %dma_start3A_1090] : memref<512x50xi32, #tpu.memory_space<vmem>> -> memref<1x50xi32, #tpu.memory_space<vmem>>
        %dma_start3A_1092 = tpu.memref_squeeze %dma_start3A_1091 : memref<1x50xi32, #tpu.memory_space<vmem>> -> memref<50xi32, #tpu.memory_space<vmem>>
        %dma_start3A_1093 = arith.constant 0 : i32
        %dma_start3A_1094 = arith.constant 0 : i32
        %dma_start3A_1095 = tpu.memref_slice %arg3[%dma_start3A_1093, %dma_start3A_1094] : memref<1000000x32xf32, #tpu.memory_space<hbm>> -> memref<1000000x32xf32, #tpu.memory_space<hbm>>
        %dma_start3A_1096 = tpu.memref_slice %arg7[%sub3A_529] : memref<2x!tpu.dma_semaphore, #tpu.memory_space<semaphore_mem>> -> memref<1x!tpu.dma_semaphore, #tpu.memory_space<semaphore_mem>>
        %dma_start3A_1097 = tpu.memref_squeeze %dma_start3A_1096 : memref<1x!tpu.dma_semaphore, #tpu.memory_space<semaphore_mem>> -> memref<!tpu.dma_semaphore, #tpu.memory_space<semaphore_mem>>
        tpu.enqueue_indirect_dma source(%dma_start3A_1095 : memref<1000000x32xf32, #tpu.memory_space<hbm>>) target(%dma_start3A_1089 : memref<50x32xf32, #tpu.memory_space<vmem>>) offsets(%dma_start3A_1092 : memref<50xi32, #tpu.memory_space<vmem>>) semaphore(%dma_start3A_1097 : memref<!tpu.dma_semaphore, #tpu.memory_space<semaphore_mem>>)
        %mul3A_1098 = arith.constant 32 : i32
        %mul3A_1099 = arith.muli %add3A_577, %mul3A_1098 : i32
        %add3A_1100 = arith.constant 26 : i32
        %add3A_1101 = arith.addi %mul3A_1099, %add3A_1100 : i32
        %mul3A_1102 = arith.constant 32 : i32
        %mul3A_1103 = arith.muli %sub3A_529, %mul3A_1102 : i32
        %add3A_1104 = arith.constant 26 : i32
        %add3A_1105 = arith.addi %mul3A_1103, %add3A_1104 : i32
        %dma_start3A_1106 = arith.constant 0 : i32
        %dma_start3A_1107 = arith.constant 0 : i32
        %dma_start3A_1108 = tpu.memref_slice %arg6[%add3A_1105, %dma_start3A_1106, %dma_start3A_1107] : memref<64x50x32xf32, #tpu.memory_space<vmem>> -> memref<1x50x32xf32, #tpu.memory_space<vmem>>
        %dma_start3A_1109 = tpu.memref_squeeze %dma_start3A_1108 : memref<1x50x32xf32, #tpu.memory_space<vmem>> -> memref<50x32xf32, #tpu.memory_space<vmem>>
        %dma_start3A_1110 = arith.constant 0 : i32
        %dma_start3A_1111 = tpu.memref_slice %arg5[%add3A_1101, %dma_start3A_1110] : memref<512x50xi32, #tpu.memory_space<vmem>> -> memref<1x50xi32, #tpu.memory_space<vmem>>
        %dma_start3A_1112 = tpu.memref_squeeze %dma_start3A_1111 : memref<1x50xi32, #tpu.memory_space<vmem>> -> memref<50xi32, #tpu.memory_space<vmem>>
        %dma_start3A_1113 = arith.constant 0 : i32
        %dma_start3A_1114 = arith.constant 0 : i32
        %dma_start3A_1115 = tpu.memref_slice %arg3[%dma_start3A_1113, %dma_start3A_1114] : memref<1000000x32xf32, #tpu.memory_space<hbm>> -> memref<1000000x32xf32, #tpu.memory_space<hbm>>
        %dma_start3A_1116 = tpu.memref_slice %arg7[%sub3A_529] : memref<2x!tpu.dma_semaphore, #tpu.memory_space<semaphore_mem>> -> memref<1x!tpu.dma_semaphore, #tpu.memory_space<semaphore_mem>>
        %dma_start3A_1117 = tpu.memref_squeeze %dma_start3A_1116 : memref<1x!tpu.dma_semaphore, #tpu.memory_space<semaphore_mem>> -> memref<!tpu.dma_semaphore, #tpu.memory_space<semaphore_mem>>
        tpu.enqueue_indirect_dma source(%dma_start3A_1115 : memref<1000000x32xf32, #tpu.memory_space<hbm>>) target(%dma_start3A_1109 : memref<50x32xf32, #tpu.memory_space<vmem>>) offsets(%dma_start3A_1112 : memref<50xi32, #tpu.memory_space<vmem>>) semaphore(%dma_start3A_1117 : memref<!tpu.dma_semaphore, #tpu.memory_space<semaphore_mem>>)
        %mul3A_1118 = arith.constant 32 : i32
        %mul3A_1119 = arith.muli %add3A_577, %mul3A_1118 : i32
        %add3A_1120 = arith.constant 27 : i32
        %add3A_1121 = arith.addi %mul3A_1119, %add3A_1120 : i32
        %mul3A_1122 = arith.constant 32 : i32
        %mul3A_1123 = arith.muli %sub3A_529, %mul3A_1122 : i32
        %add3A_1124 = arith.constant 27 : i32
        %add3A_1125 = arith.addi %mul3A_1123, %add3A_1124 : i32
        %dma_start3A_1126 = arith.constant 0 : i32
        %dma_start3A_1127 = arith.constant 0 : i32
        %dma_start3A_1128 = tpu.memref_slice %arg6[%add3A_1125, %dma_start3A_1126, %dma_start3A_1127] : memref<64x50x32xf32, #tpu.memory_space<vmem>> -> memref<1x50x32xf32, #tpu.memory_space<vmem>>
        %dma_start3A_1129 = tpu.memref_squeeze %dma_start3A_1128 : memref<1x50x32xf32, #tpu.memory_space<vmem>> -> memref<50x32xf32, #tpu.memory_space<vmem>>
        %dma_start3A_1130 = arith.constant 0 : i32
        %dma_start3A_1131 = tpu.memref_slice %arg5[%add3A_1121, %dma_start3A_1130] : memref<512x50xi32, #tpu.memory_space<vmem>> -> memref<1x50xi32, #tpu.memory_space<vmem>>
        %dma_start3A_1132 = tpu.memref_squeeze %dma_start3A_1131 : memref<1x50xi32, #tpu.memory_space<vmem>> -> memref<50xi32, #tpu.memory_space<vmem>>
        %dma_start3A_1133 = arith.constant 0 : i32
        %dma_start3A_1134 = arith.constant 0 : i32
        %dma_start3A_1135 = tpu.memref_slice %arg3[%dma_start3A_1133, %dma_start3A_1134] : memref<1000000x32xf32, #tpu.memory_space<hbm>> -> memref<1000000x32xf32, #tpu.memory_space<hbm>>
        %dma_start3A_1136 = tpu.memref_slice %arg7[%sub3A_529] : memref<2x!tpu.dma_semaphore, #tpu.memory_space<semaphore_mem>> -> memref<1x!tpu.dma_semaphore, #tpu.memory_space<semaphore_mem>>
        %dma_start3A_1137 = tpu.memref_squeeze %dma_start3A_1136 : memref<1x!tpu.dma_semaphore, #tpu.memory_space<semaphore_mem>> -> memref<!tpu.dma_semaphore, #tpu.memory_space<semaphore_mem>>
        tpu.enqueue_indirect_dma source(%dma_start3A_1135 : memref<1000000x32xf32, #tpu.memory_space<hbm>>) target(%dma_start3A_1129 : memref<50x32xf32, #tpu.memory_space<vmem>>) offsets(%dma_start3A_1132 : memref<50xi32, #tpu.memory_space<vmem>>) semaphore(%dma_start3A_1137 : memref<!tpu.dma_semaphore, #tpu.memory_space<semaphore_mem>>)
        %mul3A_1138 = arith.constant 32 : i32
        %mul3A_1139 = arith.muli %add3A_577, %mul3A_1138 : i32
        %add3A_1140 = arith.constant 28 : i32
        %add3A_1141 = arith.addi %mul3A_1139, %add3A_1140 : i32
        %mul3A_1142 = arith.constant 32 : i32
        %mul3A_1143 = arith.muli %sub3A_529, %mul3A_1142 : i32
        %add3A_1144 = arith.constant 28 : i32
        %add3A_1145 = arith.addi %mul3A_1143, %add3A_1144 : i32
        %dma_start3A_1146 = arith.constant 0 : i32
        %dma_start3A_1147 = arith.constant 0 : i32
        %dma_start3A_1148 = tpu.memref_slice %arg6[%add3A_1145, %dma_start3A_1146, %dma_start3A_1147] : memref<64x50x32xf32, #tpu.memory_space<vmem>> -> memref<1x50x32xf32, #tpu.memory_space<vmem>>
        %dma_start3A_1149 = tpu.memref_squeeze %dma_start3A_1148 : memref<1x50x32xf32, #tpu.memory_space<vmem>> -> memref<50x32xf32, #tpu.memory_space<vmem>>
        %dma_start3A_1150 = arith.constant 0 : i32
        %dma_start3A_1151 = tpu.memref_slice %arg5[%add3A_1141, %dma_start3A_1150] : memref<512x50xi32, #tpu.memory_space<vmem>> -> memref<1x50xi32, #tpu.memory_space<vmem>>
        %dma_start3A_1152 = tpu.memref_squeeze %dma_start3A_1151 : memref<1x50xi32, #tpu.memory_space<vmem>> -> memref<50xi32, #tpu.memory_space<vmem>>
        %dma_start3A_1153 = arith.constant 0 : i32
        %dma_start3A_1154 = arith.constant 0 : i32
        %dma_start3A_1155 = tpu.memref_slice %arg3[%dma_start3A_1153, %dma_start3A_1154] : memref<1000000x32xf32, #tpu.memory_space<hbm>> -> memref<1000000x32xf32, #tpu.memory_space<hbm>>
        %dma_start3A_1156 = tpu.memref_slice %arg7[%sub3A_529] : memref<2x!tpu.dma_semaphore, #tpu.memory_space<semaphore_mem>> -> memref<1x!tpu.dma_semaphore, #tpu.memory_space<semaphore_mem>>
        %dma_start3A_1157 = tpu.memref_squeeze %dma_start3A_1156 : memref<1x!tpu.dma_semaphore, #tpu.memory_space<semaphore_mem>> -> memref<!tpu.dma_semaphore, #tpu.memory_space<semaphore_mem>>
        tpu.enqueue_indirect_dma source(%dma_start3A_1155 : memref<1000000x32xf32, #tpu.memory_space<hbm>>) target(%dma_start3A_1149 : memref<50x32xf32, #tpu.memory_space<vmem>>) offsets(%dma_start3A_1152 : memref<50xi32, #tpu.memory_space<vmem>>) semaphore(%dma_start3A_1157 : memref<!tpu.dma_semaphore, #tpu.memory_space<semaphore_mem>>)
        %mul3A_1158 = arith.constant 32 : i32
        %mul3A_1159 = arith.muli %add3A_577, %mul3A_1158 : i32
        %add3A_1160 = arith.constant 29 : i32
        %add3A_1161 = arith.addi %mul3A_1159, %add3A_1160 : i32
        %mul3A_1162 = arith.constant 32 : i32
        %mul3A_1163 = arith.muli %sub3A_529, %mul3A_1162 : i32
        %add3A_1164 = arith.constant 29 : i32
        %add3A_1165 = arith.addi %mul3A_1163, %add3A_1164 : i32
        %dma_start3A_1166 = arith.constant 0 : i32
        %dma_start3A_1167 = arith.constant 0 : i32
        %dma_start3A_1168 = tpu.memref_slice %arg6[%add3A_1165, %dma_start3A_1166, %dma_start3A_1167] : memref<64x50x32xf32, #tpu.memory_space<vmem>> -> memref<1x50x32xf32, #tpu.memory_space<vmem>>
        %dma_start3A_1169 = tpu.memref_squeeze %dma_start3A_1168 : memref<1x50x32xf32, #tpu.memory_space<vmem>> -> memref<50x32xf32, #tpu.memory_space<vmem>>
        %dma_start3A_1170 = arith.constant 0 : i32
        %dma_start3A_1171 = tpu.memref_slice %arg5[%add3A_1161, %dma_start3A_1170] : memref<512x50xi32, #tpu.memory_space<vmem>> -> memref<1x50xi32, #tpu.memory_space<vmem>>
        %dma_start3A_1172 = tpu.memref_squeeze %dma_start3A_1171 : memref<1x50xi32, #tpu.memory_space<vmem>> -> memref<50xi32, #tpu.memory_space<vmem>>
        %dma_start3A_1173 = arith.constant 0 : i32
        %dma_start3A_1174 = arith.constant 0 : i32
        %dma_start3A_1175 = tpu.memref_slice %arg3[%dma_start3A_1173, %dma_start3A_1174] : memref<1000000x32xf32, #tpu.memory_space<hbm>> -> memref<1000000x32xf32, #tpu.memory_space<hbm>>
        %dma_start3A_1176 = tpu.memref_slice %arg7[%sub3A_529] : memref<2x!tpu.dma_semaphore, #tpu.memory_space<semaphore_mem>> -> memref<1x!tpu.dma_semaphore, #tpu.memory_space<semaphore_mem>>
        %dma_start3A_1177 = tpu.memref_squeeze %dma_start3A_1176 : memref<1x!tpu.dma_semaphore, #tpu.memory_space<semaphore_mem>> -> memref<!tpu.dma_semaphore, #tpu.memory_space<semaphore_mem>>
        tpu.enqueue_indirect_dma source(%dma_start3A_1175 : memref<1000000x32xf32, #tpu.memory_space<hbm>>) target(%dma_start3A_1169 : memref<50x32xf32, #tpu.memory_space<vmem>>) offsets(%dma_start3A_1172 : memref<50xi32, #tpu.memory_space<vmem>>) semaphore(%dma_start3A_1177 : memref<!tpu.dma_semaphore, #tpu.memory_space<semaphore_mem>>)
        %mul3A_1178 = arith.constant 32 : i32
        %mul3A_1179 = arith.muli %add3A_577, %mul3A_1178 : i32
        %add3A_1180 = arith.constant 30 : i32
        %add3A_1181 = arith.addi %mul3A_1179, %add3A_1180 : i32
        %mul3A_1182 = arith.constant 32 : i32
        %mul3A_1183 = arith.muli %sub3A_529, %mul3A_1182 : i32
        %add3A_1184 = arith.constant 30 : i32
        %add3A_1185 = arith.addi %mul3A_1183, %add3A_1184 : i32
        %dma_start3A_1186 = arith.constant 0 : i32
        %dma_start3A_1187 = arith.constant 0 : i32
        %dma_start3A_1188 = tpu.memref_slice %arg6[%add3A_1185, %dma_start3A_1186, %dma_start3A_1187] : memref<64x50x32xf32, #tpu.memory_space<vmem>> -> memref<1x50x32xf32, #tpu.memory_space<vmem>>
        %dma_start3A_1189 = tpu.memref_squeeze %dma_start3A_1188 : memref<1x50x32xf32, #tpu.memory_space<vmem>> -> memref<50x32xf32, #tpu.memory_space<vmem>>
        %dma_start3A_1190 = arith.constant 0 : i32
        %dma_start3A_1191 = tpu.memref_slice %arg5[%add3A_1181, %dma_start3A_1190] : memref<512x50xi32, #tpu.memory_space<vmem>> -> memref<1x50xi32, #tpu.memory_space<vmem>>
        %dma_start3A_1192 = tpu.memref_squeeze %dma_start3A_1191 : memref<1x50xi32, #tpu.memory_space<vmem>> -> memref<50xi32, #tpu.memory_space<vmem>>
        %dma_start3A_1193 = arith.constant 0 : i32
        %dma_start3A_1194 = arith.constant 0 : i32
        %dma_start3A_1195 = tpu.memref_slice %arg3[%dma_start3A_1193, %dma_start3A_1194] : memref<1000000x32xf32, #tpu.memory_space<hbm>> -> memref<1000000x32xf32, #tpu.memory_space<hbm>>
        %dma_start3A_1196 = tpu.memref_slice %arg7[%sub3A_529] : memref<2x!tpu.dma_semaphore, #tpu.memory_space<semaphore_mem>> -> memref<1x!tpu.dma_semaphore, #tpu.memory_space<semaphore_mem>>
        %dma_start3A_1197 = tpu.memref_squeeze %dma_start3A_1196 : memref<1x!tpu.dma_semaphore, #tpu.memory_space<semaphore_mem>> -> memref<!tpu.dma_semaphore, #tpu.memory_space<semaphore_mem>>
        tpu.enqueue_indirect_dma source(%dma_start3A_1195 : memref<1000000x32xf32, #tpu.memory_space<hbm>>) target(%dma_start3A_1189 : memref<50x32xf32, #tpu.memory_space<vmem>>) offsets(%dma_start3A_1192 : memref<50xi32, #tpu.memory_space<vmem>>) semaphore(%dma_start3A_1197 : memref<!tpu.dma_semaphore, #tpu.memory_space<semaphore_mem>>)
        %mul3A_1198 = arith.constant 32 : i32
        %mul3A_1199 = arith.muli %add3A_577, %mul3A_1198 : i32
        %add3A_1200 = arith.constant 31 : i32
        %add3A_1201 = arith.addi %mul3A_1199, %add3A_1200 : i32
        %mul3A_1202 = arith.constant 32 : i32
        %mul3A_1203 = arith.muli %sub3A_529, %mul3A_1202 : i32
        %add3A_1204 = arith.constant 31 : i32
        %add3A_1205 = arith.addi %mul3A_1203, %add3A_1204 : i32
        %dma_start3A_1206 = arith.constant 0 : i32
        %dma_start3A_1207 = arith.constant 0 : i32
        %dma_start3A_1208 = tpu.memref_slice %arg6[%add3A_1205, %dma_start3A_1206, %dma_start3A_1207] : memref<64x50x32xf32, #tpu.memory_space<vmem>> -> memref<1x50x32xf32, #tpu.memory_space<vmem>>
        %dma_start3A_1209 = tpu.memref_squeeze %dma_start3A_1208 : memref<1x50x32xf32, #tpu.memory_space<vmem>> -> memref<50x32xf32, #tpu.memory_space<vmem>>
        %dma_start3A_1210 = arith.constant 0 : i32
        %dma_start3A_1211 = tpu.memref_slice %arg5[%add3A_1201, %dma_start3A_1210] : memref<512x50xi32, #tpu.memory_space<vmem>> -> memref<1x50xi32, #tpu.memory_space<vmem>>
        %dma_start3A_1212 = tpu.memref_squeeze %dma_start3A_1211 : memref<1x50xi32, #tpu.memory_space<vmem>> -> memref<50xi32, #tpu.memory_space<vmem>>
        %dma_start3A_1213 = arith.constant 0 : i32
        %dma_start3A_1214 = arith.constant 0 : i32
        %dma_start3A_1215 = tpu.memref_slice %arg3[%dma_start3A_1213, %dma_start3A_1214] : memref<1000000x32xf32, #tpu.memory_space<hbm>> -> memref<1000000x32xf32, #tpu.memory_space<hbm>>
        %dma_start3A_1216 = tpu.memref_slice %arg7[%sub3A_529] : memref<2x!tpu.dma_semaphore, #tpu.memory_space<semaphore_mem>> -> memref<1x!tpu.dma_semaphore, #tpu.memory_space<semaphore_mem>>
        %dma_start3A_1217 = tpu.memref_squeeze %dma_start3A_1216 : memref<1x!tpu.dma_semaphore, #tpu.memory_space<semaphore_mem>> -> memref<!tpu.dma_semaphore, #tpu.memory_space<semaphore_mem>>
        tpu.enqueue_indirect_dma source(%dma_start3A_1215 : memref<1000000x32xf32, #tpu.memory_space<hbm>>) target(%dma_start3A_1209 : memref<50x32xf32, #tpu.memory_space<vmem>>) offsets(%dma_start3A_1212 : memref<50xi32, #tpu.memory_space<vmem>>) semaphore(%dma_start3A_1217 : memref<!tpu.dma_semaphore, #tpu.memory_space<semaphore_mem>>)
      } else {
      }
      %mul3A_535 = arith.constant 32 : i32
      %mul3A_536 = arith.muli %select_n3A_528, %mul3A_535 : i32
      %dma_wait3A_537 = arith.constant 0 : i32
      %dma_wait3A_538 = arith.constant 0 : i32
      %dma_wait3A_539 = tpu.memref_slice %arg6[%mul3A_536, %dma_wait3A_537, %dma_wait3A_538] : memref<64x50x32xf32, #tpu.memory_space<vmem>> -> memref<32x50x32xf32, #tpu.memory_space<vmem>>
      %dma_wait3A_540 = arith.constant 0 : i32
      %dma_wait3A_541 = arith.constant 0 : i32
      %dma_wait3A_542 = arith.constant 0 : i32
      %dma_wait3A_543 = tpu.memref_slice %arg4[%dma_wait3A_540, %dma_wait3A_541, %dma_wait3A_542] : memref<16384x50x32xf32, #tpu.memory_space<hbm>> -> memref<32x50x32xf32, #tpu.memory_space<hbm>>
      %dma_wait3A_544 = tpu.memref_slice %arg7[%select_n3A_528] : memref<2x!tpu.dma_semaphore, #tpu.memory_space<semaphore_mem>> -> memref<1x!tpu.dma_semaphore, #tpu.memory_space<semaphore_mem>>
      %dma_wait3A_545 = tpu.memref_squeeze %dma_wait3A_544 : memref<1x!tpu.dma_semaphore, #tpu.memory_space<semaphore_mem>> -> memref<!tpu.dma_semaphore, #tpu.memory_space<semaphore_mem>>
      %dma_wait3A_546 = arith.constant 0 : i32
      %dma_wait3A_547 = arith.constant 0 : i32
      %dma_wait3A_548 = tpu.memref_slice %arg6[%mul3A_536, %dma_wait3A_546, %dma_wait3A_547] : memref<64x50x32xf32, #tpu.memory_space<vmem>> -> memref<32x50x32xf32, #tpu.memory_space<vmem>>
      %dma_wait3A_549 = arith.constant 0 : i32
      %dma_wait3A_550 = arith.constant 0 : i32
      %dma_wait3A_551 = arith.constant 0 : i32
      %dma_wait3A_552 = tpu.memref_slice %arg4[%dma_wait3A_549, %dma_wait3A_550, %dma_wait3A_551] : memref<16384x50x32xf32, #tpu.memory_space<hbm>> -> memref<32x50x32xf32, #tpu.memory_space<hbm>>
      tpu.wait_dma2 semaphore(%dma_wait3A_545 : memref<!tpu.dma_semaphore, #tpu.memory_space<semaphore_mem>>) src(%dma_wait3A_552 : memref<32x50x32xf32, #tpu.memory_space<hbm>>) dst(%dma_wait3A_548 : memref<32x50x32xf32, #tpu.memory_space<vmem>>)
      %mul3A_553 = arith.constant 32 : i32
      %mul3A_554 = arith.muli %select_n3A_528, %mul3A_553 : i32
      %mul3A_555 = arith.constant 32 : i32
      %mul3A_556 = arith.muli %scan3A_519, %mul3A_555 : i32
      %add3A_557 = arith.addi %mul3A_2, %mul3A_556 : i32
      %dma_start3A_558 = arith.constant 0 : i32
      %dma_start3A_559 = arith.constant 0 : i32
      %dma_start3A_560 = tpu.memref_slice %arg6[%mul3A_554, %dma_start3A_558, %dma_start3A_559] : memref<64x50x32xf32, #tpu.memory_space<vmem>> -> memref<32x50x32xf32, #tpu.memory_space<vmem>>
      %dma_start3A_561 = arith.constant 0 : i32
      %dma_start3A_562 = arith.constant 0 : i32
      %dma_start3A_563 = tpu.memref_slice %arg4[%add3A_557, %dma_start3A_561, %dma_start3A_562] : memref<16384x50x32xf32, #tpu.memory_space<hbm>> -> memref<32x50x32xf32, #tpu.memory_space<hbm>>
      %dma_start3A_564 = tpu.memref_slice %arg8[%select_n3A_528] : memref<2x!tpu.dma_semaphore, #tpu.memory_space<semaphore_mem>> -> memref<1x!tpu.dma_semaphore, #tpu.memory_space<semaphore_mem>>
      %dma_start3A_565 = tpu.memref_squeeze %dma_start3A_564 : memref<1x!tpu.dma_semaphore, #tpu.memory_space<semaphore_mem>> -> memref<!tpu.dma_semaphore, #tpu.memory_space<semaphore_mem>>
      %dma_start3A_566 = arith.constant 0 : i32
      %dma_start3A_567 = arith.constant 0 : i32
      %dma_start3A_568 = tpu.memref_slice %arg4[%add3A_557, %dma_start3A_566, %dma_start3A_567] : memref<16384x50x32xf32, #tpu.memory_space<hbm>> -> memref<32x50x32xf32, #tpu.memory_space<hbm>>
      %dma_start3A_569 = arith.constant 0 : i32
      %dma_start3A_570 = arith.constant 0 : i32
      %dma_start3A_571 = tpu.memref_slice %arg6[%mul3A_554, %dma_start3A_569, %dma_start3A_570] : memref<64x50x32xf32, #tpu.memory_space<vmem>> -> memref<32x50x32xf32, #tpu.memory_space<vmem>>
      tpu.enqueue_dma source(%dma_start3A_571 : memref<32x50x32xf32, #tpu.memory_space<vmem>>) target(%dma_start3A_568 : memref<32x50x32xf32, #tpu.memory_space<hbm>>) target_semaphore(%dma_start3A_565 : memref<!tpu.dma_semaphore, #tpu.memory_space<semaphore_mem>>)
    }
    %scan3A_485 = arith.constant 16 : i32
    %dma_wait3A = arith.constant 0 : i32
    %dma_wait3A_486 = arith.constant 0 : i32
    %dma_wait3A_487 = arith.constant 0 : i32
    %dma_wait3A_488 = arith.constant 0 : i32
    %dma_wait3A_489 = tpu.memref_slice %arg6[%dma_wait3A_486, %dma_wait3A_487, %dma_wait3A_488] : memref<64x50x32xf32, #tpu.memory_space<vmem>> -> memref<32x50x32xf32, #tpu.memory_space<vmem>>
    %dma_wait3A_490 = arith.constant 0 : i32
    %dma_wait3A_491 = arith.constant 0 : i32
    %dma_wait3A_492 = tpu.memref_slice %arg4[%mul3A_2, %dma_wait3A_490, %dma_wait3A_491] : memref<16384x50x32xf32, #tpu.memory_space<hbm>> -> memref<32x50x32xf32, #tpu.memory_space<hbm>>
    %dma_wait3A_493 = tpu.memref_slice %arg8[%dma_wait3A] : memref<2x!tpu.dma_semaphore, #tpu.memory_space<semaphore_mem>> -> memref<1x!tpu.dma_semaphore, #tpu.memory_space<semaphore_mem>>
    %dma_wait3A_494 = tpu.memref_squeeze %dma_wait3A_493 : memref<1x!tpu.dma_semaphore, #tpu.memory_space<semaphore_mem>> -> memref<!tpu.dma_semaphore, #tpu.memory_space<semaphore_mem>>
    %dma_wait3A_495 = arith.constant 0 : i32
    %dma_wait3A_496 = arith.constant 0 : i32
    %dma_wait3A_497 = tpu.memref_slice %arg4[%mul3A_2, %dma_wait3A_495, %dma_wait3A_496] : memref<16384x50x32xf32, #tpu.memory_space<hbm>> -> memref<32x50x32xf32, #tpu.memory_space<hbm>>
    %dma_wait3A_498 = arith.constant 0 : i32
    %dma_wait3A_499 = arith.constant 0 : i32
    %dma_wait3A_500 = arith.constant 0 : i32
    %dma_wait3A_501 = tpu.memref_slice %arg6[%dma_wait3A_498, %dma_wait3A_499, %dma_wait3A_500] : memref<64x50x32xf32, #tpu.memory_space<vmem>> -> memref<32x50x32xf32, #tpu.memory_space<vmem>>
    tpu.wait_dma2 semaphore(%dma_wait3A_494 : memref<!tpu.dma_semaphore, #tpu.memory_space<semaphore_mem>>) src(%dma_wait3A_501 : memref<32x50x32xf32, #tpu.memory_space<vmem>>) dst(%dma_wait3A_497 : memref<32x50x32xf32, #tpu.memory_space<hbm>>)
    %dma_wait3A_502 = arith.constant 1 : i32
    %dma_wait3A_503 = arith.constant 32 : i32
    %dma_wait3A_504 = arith.constant 0 : i32
    %dma_wait3A_505 = arith.constant 0 : i32
    %dma_wait3A_506 = tpu.memref_slice %arg6[%dma_wait3A_503, %dma_wait3A_504, %dma_wait3A_505] : memref<64x50x32xf32, #tpu.memory_space<vmem>> -> memref<32x50x32xf32, #tpu.memory_space<vmem>>
    %dma_wait3A_507 = arith.constant 0 : i32
    %dma_wait3A_508 = arith.constant 0 : i32
    %dma_wait3A_509 = tpu.memref_slice %arg4[%mul3A_2, %dma_wait3A_507, %dma_wait3A_508] : memref<16384x50x32xf32, #tpu.memory_space<hbm>> -> memref<32x50x32xf32, #tpu.memory_space<hbm>>
    %dma_wait3A_510 = tpu.memref_slice %arg8[%dma_wait3A_502] : memref<2x!tpu.dma_semaphore, #tpu.memory_space<semaphore_mem>> -> memref<1x!tpu.dma_semaphore, #tpu.memory_space<semaphore_mem>>
    %dma_wait3A_511 = tpu.memref_squeeze %dma_wait3A_510 : memref<1x!tpu.dma_semaphore, #tpu.memory_space<semaphore_mem>> -> memref<!tpu.dma_semaphore, #tpu.memory_space<semaphore_mem>>
    %dma_wait3A_512 = arith.constant 0 : i32
    %dma_wait3A_513 = arith.constant 0 : i32
    %dma_wait3A_514 = tpu.memref_slice %arg4[%mul3A_2, %dma_wait3A_512, %dma_wait3A_513] : memref<16384x50x32xf32, #tpu.memory_space<hbm>> -> memref<32x50x32xf32, #tpu.memory_space<hbm>>
    %dma_wait3A_515 = arith.constant 32 : i32
    %dma_wait3A_516 = arith.constant 0 : i32
    %dma_wait3A_517 = arith.constant 0 : i32
    %dma_wait3A_518 = tpu.memref_slice %arg6[%dma_wait3A_515, %dma_wait3A_516, %dma_wait3A_517] : memref<64x50x32xf32, #tpu.memory_space<vmem>> -> memref<32x50x32xf32, #tpu.memory_space<vmem>>
    tpu.wait_dma2 semaphore(%dma_wait3A_511 : memref<!tpu.dma_semaphore, #tpu.memory_space<semaphore_mem>>) src(%dma_wait3A_518 : memref<32x50x32xf32, #tpu.memory_space<vmem>>) dst(%dma_wait3A_514 : memref<32x50x32xf32, #tpu.memory_space<hbm>>)
    return
  }
}

</mosaic_0001>

<sc_bundles>
// kernel: kernel.3.cloned.1.call-start
scs
__scs_entry_jumppad:
0x0: {  	(pc) =	sbr.rel $0x88, $3  }
0x1: {  	(tag) =	ssettag $0x0;
	lr =	simm.s32 $0x1  }
0x2: {  	[smem:$0x3F9F] =	sst lr;
	_ =	strace $0xD0000000  }
0x3: {  	_ = 	snop  }
0x4: {  	_ = 	snop  }
0x5: {  	_ = 	snop  }
0x6: {  	_ = 	snop  }
0x7: {  	_ = 	snop  }
__scs_overlays_trampoline_lowered:
0x8: {  	[smem:$0x3FAE] =	sst s0  }
0x9: {  	[smem:$0x3FAF] =	sst s1  }
0xa: {  	[smem:$0x3FB0] =	sst s2  }
0xb: {  	[smem:$0x3FB1] =	sst s3  }
0xc: {  	[smem:$0x3FB2] =	sst s4  }
0xd: {  	[smem:$0x3FB3] =	sst s5  }
0xe: {  	[smem:$0x3FB4] =	sst s6  }
0xf: {  	[smem:$0x3FB5] =	sst s7  }
0x10: {  	[smem:$0x3FB6] =	sst s8  }
0x11: {  	[smem:$0x3FB7] =	sst s9;
	s0 =	simm.s32 @!p0 $0x0  }
0x12: {  	s1 =	sld [smem:$0x3F9D];
	s0 =	simm.s32 @p0 $0x1  }
0x13: {  	[smem:$0x3FB8] =	sst s0;
	s0 =	simm.s32 @!p1 $0x0  }
0x14: {  	s2 =	sld [smem:$0x3F9C];
	s0 =	simm.s32 @p1 $0x1  }
0x15: {  	[smem:$0x3FB9] =	sst s0;
	s0 =	simm.s32 @!p2 $0x0  }
0x16: {  	s3 =	sld [smem:$0x3FDB];
	s0 =	simm.s32 @p2 $0x1  }
0x17: {  	s4 =	simm.s32 $0x1BF5;
	[smem:$0x3FBB] =	sst s0  }
0x18: {  	s0 =	sld [smem:$0x3F9E];
	_ =	swait.ge [sflag:s4], $0x0  }
0x19: {  	s7 =	sld [smem:$0x3F9F]  }
0x1a: {  	s8 =	sadd.s32 $0xFFFFE003, lr  }
0x1b: {  	s9 =	sadd.s32 $0xFFFFFEF7, lr;
	s5 =	simm.s32 $0xFFFFFFFF;
	p2 =	slt.u32 s8, $0xFFFFF086  }
0x1c: {  	p1 =	slt.u32 s9, $0xF7A;
	s5 =	simm.s32 @!p2 $0x0  }
0x1d: {  	s5 =	simm.s32 @p1 $0x1;
	p0 =	seq.s32 s7, s2  }
0x1e: {  	s7 =	smul.u32 @!p0 $0xF7A, s2;
	p2 =	seq.s32 @!p0 s5, $0x0  }
0x1f: {  	s9 =	smul.u32 $0xF7A, s1;
	s8 =	simm.s32 @!p0 $0x1BF5;
	p2 =	por !p2, p0  }
0x20: {  	[sflag:s8] =	ssyncset.s32 @!p0 $0xFFFFF086;
	s6 =	sadd.s32 @!p0 s3, s7;
	s7 =	simm.s32 @!p0 $0x108  }
0x21: {  	s3 =	sadd.s32 s3, s9;
	s6 =	sadd.s32 @!p0 $0x88, s6;
	s7 =	simm.s32 @p2 $0x1082  }
0x22: {  	[simem:s7], [sflag:s8] =	dma.local @!p0 [hbm:s6], $0xF7A  }
0x23: {  	s9 =	sor.u32 $0xD0000000, s2;
	s6 =	simm.s32 $0x108;
	_ =	swait.ge @!p0 [sflag:s8], $0x0  }
0x24: {  	s3 =	sadd.s32 $0x88, s3;
	s6 =	simm.s32 @!p1 $0x1082;
	[sflag:s4] =	ssyncset.s32 $0xFFFFF086  }
0x25: {  	[simem:s6], [sflag:s4] =	dma.local [hbm:s3], $0xF7A  }
0x26: {  	[smem:$0x3F9F] =	sst s1;
	(tag) =	ssettag s2;
	_ =	strace s9  }
0x27: {  	s1 =	sld [smem:$0x3FAF]  }
0x28: {  	s2 =	sld [smem:$0x3FB0]  }
0x29: {  	s4 =	sld [smem:$0x3FB2]  }
0x2a: {  	p0 =	seq.s32 s5, $0x0;
	s5 =	sld [smem:$0x3FB3]  }
0x2b: {  	s6 =	sld [smem:$0x3FB4]  }
0x2c: {  	s7 =	sld [smem:$0x3FB5]  }
0x2d: {  	s3 =	simm.s32 $0x108;
	s8 =	sld [smem:$0x3FB6]  }
0x2e: {  	s3 =	simm.s32 @!p0 $0x1082;
	s9 =	sld [smem:$0x3FB7]  }
0x2f: {  	lr =	sadd.s32 s0, s3;
	s0 =	sld [smem:$0x3FAE]  }
0x30: {  	s3 =	sld [smem:$0x3FB1]  }
0x31: {  	[smem:$0x3FBA] =	sst s10  }
0x32: {  	s10 =	sld [smem:$0x3FB8];
	_ =	sdelay $0x3  }
0x33: {  	p0 =	seq.s32 s10, $0x1;
	s10 =	sld [smem:$0x3FBA];
	_ =	sdelay $0x3  }
0x34: {  	[smem:$0x3FBA] =	sst s10  }
0x35: {  	s10 =	sld [smem:$0x3FB9];
	_ =	sdelay $0x3  }
0x36: {  	p1 =	seq.s32 s10, $0x1;
	s10 =	sld [smem:$0x3FBA];
	_ =	sdelay $0x3  }
0x37: {  	[smem:$0x3FBA] =	sst s10  }
0x38: {  	s10 =	sld [smem:$0x3FBB]  }
0x39: {  	_ = 	snop;
	(pc) =	sbr.ind lr, $3  }
0x3a: {  	_ = 	snop  }
0x3b: {  	_ = 	snop  }
0x3c: {  	p2 =	seq.s32 s10, $0x1;
	s10 =	sld [smem:$0x3FBA]  }
0x3d: {  	_ =	shalt  }
0x3e: {  	_ =	shalt  }
0x3f: {  	_ =	shalt  }
0x40: {  	_ =	shalt  }
0x41: {  	_ =	shalt  }
0x42: {  	_ =	shalt  }
0x43: {  	_ =	shalt  }
0x44: {  	_ =	shalt  }
0x45: {  	_ =	shalt  }
0x46: {  	_ =	shalt  }
0x47: {  	_ =	shalt  }
0x48: {  	_ =	shalt  }
0x49: {  	_ =	shalt  }
0x4a: {  	_ =	shalt  }
0x4b: {  	_ =	shalt  }
0x4c: {  	_ =	shalt  }
0x4d: {  	_ =	shalt  }
0x4e: {  	_ =	shalt  }
0x4f: {  	_ =	shalt  }
0x50: {  	_ =	shalt  }
0x51: {  	_ =	shalt  }
0x52: {  	_ =	shalt  }
0x53: {  	_ =	shalt  }
0x54: {  	_ =	shalt  }
0x55: {  	_ =	shalt  }
0x56: {  	_ =	shalt  }
0x57: {  	_ =	shalt  }
0x58: {  	_ =	shalt  }
0x59: {  	_ =	shalt  }
0x5a: {  	_ =	shalt  }
0x5b: {  	_ =	shalt  }
0x5c: {  	_ =	shalt  }
0x5d: {  	_ =	shalt  }
0x5e: {  	_ =	shalt  }
0x5f: {  	_ =	shalt  }
0x60: {  	_ =	shalt  }
0x61: {  	_ =	shalt  }
0x62: {  	_ =	shalt  }
0x63: {  	_ =	shalt  }
0x64: {  	_ =	shalt  }
0x65: {  	_ =	shalt  }
0x66: {  	_ =	shalt  }
0x67: {  	_ =	shalt  }
0x68: {  	_ =	shalt  }
0x69: {  	_ =	shalt  }
0x6a: {  	_ =	shalt  }
0x6b: {  	_ =	shalt  }
0x6c: {  	_ =	shalt  }
0x6d: {  	_ =	shalt  }
0x6e: {  	_ =	shalt  }
0x6f: {  	_ =	shalt  }
0x70: {  	_ =	shalt  }
0x71: {  	_ =	shalt  }
0x72: {  	_ =	shalt  }
0x73: {  	_ =	shalt  }
0x74: {  	_ =	shalt  }
0x75: {  	_ =	shalt  }
0x76: {  	_ =	shalt  }
0x77: {  	_ =	shalt  }
0x78: {  	_ =	shalt  }
0x79: {  	_ =	shalt  }
0x7a: {  	_ =	shalt  }
0x7b: {  	_ =	shalt  }
0x7c: {  	_ =	shalt  }
0x7d: {  	_ =	shalt  }
0x7e: {  	_ =	shalt  }
0x7f: {  	_ =	shalt  }
0x80: {  	_ =	shalt  }
0x81: {  	_ =	shalt  }
0x82: {  	_ =	shalt  }
0x83: {  	_ =	shalt  }
0x84: {  	_ =	shalt  }
0x85: {  	_ =	shalt  }
0x86: {  	_ =	shalt  }
0x87: {  	_ =	shalt  }
.Lfunc_end0:
.L_simem_size_0:
called_computation.1_lowered:
.L_overlay_start_0:
0x88: {  	s2 =	sld [smem:$0x3FD9]  }
0x89: {  	s3 =	sld [smem:$0x3FFE];
	_ =	sdelay $0x1  }
0x8a: {  	s1 =	srdreg.scid  }
0x8b: {  	s0 =	sand.u32 $0x1, s1  }
0x8c: {  	s17 =	sshll.u32 s0, $0xA;
	s2 =	sadd.s32 s3, s2  }
0x8d: {  	s2 =	sadd.s32 s2, s17  }
0x8e: {  	[smem:$0x3FC6] =	sst s2  }
0x8f: {  	_ = 	snop  }
0x90: {  	s2 =	sld [smem:$0x3FD0];
	(tm) =	ssettm $0x1  }
0x91: {  	s18 =	sld [smem:$0x3FFB];
	_ =	sdelay $0x3  }
0x92: {  	_ =	strace s18  }
0x93: {  	s3 =	sld [smem:$0x3FFC];
	_ =	sdelay $0x3  }
0x94: {  	_ =	strace s3  }
0x95: {  	s3 =	sld [smem:$0x3FFD];
	_ =	sdelay $0x3  }
0x96: {  	_ =	strace s3  }
0x97: {  	_ =	strace $0x8FFFFFFF  }
0x98: {  	s19 =	sld [smem:$0x3FDB];
	_ =	sdelay $0x1  }
0x99: {  	s4 =	simm.s32 $_scs_section_size  }
0x9a: {  	s5 =	simm.s32 $_size__tile_overlayer_lowered;
	s6 =	simm.s32 $_tile_overlayer_lowered  }
0x9b: {  	s22 =	simm.s32 $0x1BFF;
	s21 =	sshll.u32 s6, $0x1;
	s3 =	sadd.s32 s4, s19  }
0x9c: {  	s7 =	simm.s32 $0x0;
	s20 =	sshll.u32 s5, $0x1;
	s5 =	sadd.s32 s21, s3  }
0x9d: {  	[timem:s7], [sflag:s22] =	dma.local [hbm:s5], s20  }
0x9e: {  	_ =	swait.ge [sflag:s22], s20  }
0x9f: {  	s4 =	ssub.s32 $0x0, s20;
	[sflag:s22] =	ssyncset.done $0x0  }
0xa0: {  	[sflag:s22] =	ssyncadd.s32 s4;
	_ =	sdelay $0x1  }
0xa1: {  	s23 =	simm.s32 $0x1B8B  }
0xa2: {  	_ =	swait.ge [sflag:s23], $0x1  }
0xa3: {  	[sflag:s23] =	ssyncset.done $0x0  }
0xa4: {  	s25 =	simm.s32 $0x1B8E;
	s24 =	sld [smem:$0x3FFE];
	[sflag:s23] =	ssyncadd.s32 $0xFFFFFFFF  }
0xa5: {  	s26 =	simm.s32 $execute0_lowered;
	[smem:$0x3FD2] =	sst s25  }
0xa6: {  	s5 =	sshll.u32 s26, $0x1;
	_ =	strace $0x80000046;
	[dreg:$0x1] =	wrdreg $0xFFFFFFFF  }
0xa7: {  	s28 =	simm.s32 $_size_execute0_lowered;
	s3 =	sadd.s32 s3, s5;
	[dreg:$0x0] =	wrdreg $0x0  }
0xa8: {  	s5 =	sshll.u32 s28, $0x1;
	[dreg:$0x2] =	wrdreg s3  }
0xa9: {  	[dreg:$0x3] =	wrdreg s5  }
0xaa: {  	[dreg:$0x4] =	wrdreg $0xC0  }
0xab: {  	_ =	task [dreg:s7], $0x5FFFF  }
0xac: {  	[dreg:$0x1] =	wrdreg $0xFFFFFFFF  }
0xad: {  	[dreg:$0x0] =	wrdreg $0x60  }
0xae: {  	[dreg:$0x2] =	wrdreg s24  }
0xaf: {  	[dreg:$0x3] =	wrdreg s2  }
0xb0: {  	[dreg:$0x4] =	wrdreg $0x9  }
0xb1: {  	_ =	task.clear_ibuf [dreg:s7], $0x5FFFF;
	_ =	strace $0x90000046  }
0xb2: {  	s29 =	simm.s32 $0x9;
	_ =	strace $0x80000048  }
0xb3: {  	_ =	swait.ge [sflag:s29], $0x1  }
0xb4: {  	[sflag:s29] =	ssyncadd.s32 $0xFFFFFFFF  }
0xb5: {  	_ =	strace $0x90000048  }
0xb6: {  	_ =	sfence  }
0xb7: {  	s30 =	sld [smem:$0x0];
	_ =	sdelay $0x2  }
0xb8: {  	s31 =	sshll.u32 s1, $0xD;
	s1 =	sshrl.u32 s1, $0x2  }
0xb9: {  	s3 =	sand.u32 $0x4000, s31;
	s1 =	sadd.s32 s1, s30  }
0xba: {  	s0 =	sor.u32 s3, s0;
	s1 =	sshll.u32 s1, $0x11  }
0xbb: {  	s0 =	sor.u32 s1, s0  }
0xbc: {  	s0 =	sadd.s32 $0x8F2B, s0  }
0xbd: {  	[sflag:s0] =	ssyncadd.remote.s32 $0x1  }
0xbe: {  	_ =	sfence.sel $0xFFFF  }
0xbf: {  	[dreg:$0x0] =	wrdreg $0xFFFFFFFF;
	(pc) =	sbr.abs _section_cstart, $3  }
0xc0: {  	[dreg:$0x1] =	wrdreg $0xFFFFFFFF  }
0xc1: {  	_ =	task.clear_ibuf [dreg:s7], $0x2FFFF;
	_ =	strace $0x9FFFFFFF  }
0xc2: {  	(tm) =	ssettm $0x7FFFFFFF  }
0xc3: {  	_ =	shalt  }
tec
execute0_lowered:
.L_overlay_start_1:
0x0: {  	(tag) =	ssettag $0x1  }
0x1: {  	s0 =	srdreg.scid;
	s1 =	rddreg [dreg:$0x0]  }
0x2: {  	s8 =	stileid.u32;
	s6 =	rddreg [dreg:$0x1];
	s2 =	simm.s32 $0x0  }
0x3: {  	s12 =	simm.s32 $0x5B0;
	s13 =	simm.s32 $0x11280;
	s14 =	simm.s32 $0x5E8  }
0x4: {  	s15 =	simm.s32 $0x118C0;
	s16 =	simm.s32 $0x620;
	s17 =	simm.s32 $0x11F00  }
0x5: {  	s18 =	simm.s32 $0x658;
	s19 =	simm.s32 $0x12540;
	s20 =	simm.s32 $0x690  }
0x6: {  	s21 =	simm.s32 $0x12B80;
	s22 =	simm.s32 $0x6C8;
	s23 =	simm.s32 $0x131C0  }
0x7: {  	s24 =	simm.s32 $0x3;
	s25 =	simm.s32 $0x4;
	s26 =	simm.s32 $0x0  }
0x8: {  	s0 =	sand.u32 $0x1, s0;
	s3 =	sshll.u32 s8, $0xA;
	s8 =	smul.u32 $0x32000, s8  }
0x9: {  	s4 =	sshll.u32 s0, $0x9;
	s28 =	ssub.s32 $0x2, s0;
	s0 =	smul.u32 $0x19000, s0  }
.Ltmp0:
0xa: {  	[smem:$0x7FF] =	sst s2;
	s3 =	sor.u32 s4, s3;
	(pc) =	sbr.rel .LBB2_1-.Ltmp0, $4  }
0xb: {  	_ =	strace $0x80000047;
	s7 =	sshrl.u32 s28, $0x1;
	s3 =	smul.u32 $0x7, s3  }
0xc: {  	s31 =	sadd.s32 s8, s6;
	s8 =	simm.s32 $0x32;
	s30 =	ssub.s32 s28, s7  }
0xd: {  	s29 =	sadd.s32 s0, s31;
	s7 =	simm.s32 $0x5;
	s5 =	sadd.s32 s3, s1  }
0xe: {  	s3 =	sadd.s32 $0xF42E00, s1;
	s4 =	sadd.s32 $0xA00, s5;
	s5 =	smax.u32 s30, $0x1  }
.LBB2_7:
0xf: {  	s26 =	sadd.s32 $0x1, s26  }
0x10: {  	_ =	swait.ge [sflag:s24], $0xC800;
	p0 =	sne.s32 s26, s5  }
.Ltmp1:
0x11: {  	[sflag:s24] =	ssyncset.done $0x0;
	(pc) =	sbr.rel @!p0 .LBB2_8-.Ltmp1, $4  }
0x12: {  	[sflag:s24] =	ssyncadd.s32 $0xFFFF3800  }
0x13: {  	_ =	swait.ge [sflag:s25], $0xC800  }
0x14: {  	[sflag:s25] =	ssyncset.done $0x0  }
0x15: {  	[sflag:s25] =	ssyncadd.s32 $0xFFFF3800  }
.LBB2_1:
0x16: {  	[tilespmem:s2], [sflag:$0x5] =	stream.linear.gather [hbm4b:s4+s2], $0x7000, $0x38;
	v63 =	vld [tilespmem:$0x0]  }
0x17: {  	_ =	swait.ge [sflag:s7], $0x7000  }
0x18: {  	[sflag:s7] =	ssyncset.done $0x0  }
0x19: {  	s0 =	simm.s32 $0x7000;
	[sflag:s7] =	ssyncadd.s32 $0xFFFF9000  }
0x1a: {  	[tilespmem:s0], [sflag:$0x1] =	stream.indirect.gather [hbm4b:s3+s8], $0x20, s2, s8, $0xb8;
	v63 =	vld [tilespmem:$0x0]  }
0x1b: {  	s31 =	simm.s32 $0x38;
	s1 =	simm.s32 $0x7640  }
0x1c: {  	[tilespmem:s1], [sflag:$0x1] =	stream.indirect.gather [hbm4b:s3+s8], $0x20, s31, s8, $0xb8;
	v63 =	vld [tilespmem:$0x0]  }
0x1d: {  	s6 =	simm.s32 $0x7C80;
	s1 =	simm.s32 $0x70  }
0x1e: {  	[tilespmem:s6], [sflag:$0x1] =	stream.indirect.gather [hbm4b:s3+s8], $0x20, s1, s8, $0xb8;
	v63 =	vld [tilespmem:$0x0]  }
0x1f: {  	s9 =	simm.s32 $0xA8;
	s10 =	simm.s32 $0x82C0  }
0x20: {  	[tilespmem:s10], [sflag:$0x1] =	stream.indirect.gather [hbm4b:s3+s8], $0x20, s9, s8, $0xb8;
	v63 =	vld [tilespmem:$0x0]  }
0x21: {  	s11 =	simm.s32 $0xE0;
	s31 =	simm.s32 $0x8900  }
0x22: {  	[tilespmem:s31], [sflag:$0x1] =	stream.indirect.gather [hbm4b:s3+s8], $0x20, s11, s8, $0xb8;
	v63 =	vld [tilespmem:$0x0]  }
0x23: {  	s1 =	simm.s32 $0x118;
	s6 =	simm.s32 $0x8F40  }
0x24: {  	[tilespmem:s6], [sflag:$0x1] =	stream.indirect.gather [hbm4b:s3+s8], $0x20, s1, s8, $0xb8;
	v63 =	vld [tilespmem:$0x0]  }
0x25: {  	s9 =	simm.s32 $0x150;
	s10 =	simm.s32 $0x9580  }
0x26: {  	[tilespmem:s10], [sflag:$0x1] =	stream.indirect.gather [hbm4b:s3+s8], $0x20, s9, s8, $0xb8;
	v63 =	vld [tilespmem:$0x0]  }
0x27: {  	s11 =	simm.s32 $0x188;
	s31 =	simm.s32 $0x9BC0  }
0x28: {  	[tilespmem:s31], [sflag:$0x1] =	stream.indirect.gather [hbm4b:s3+s8], $0x20, s11, s8, $0xb8;
	v63 =	vld [tilespmem:$0x0]  }
0x29: {  	s1 =	simm.s32 $0x1C0;
	s6 =	simm.s32 $0xA200  }
0x2a: {  	[tilespmem:s6], [sflag:$0x1] =	stream.indirect.gather [hbm4b:s3+s8], $0x20, s1, s8, $0xb8;
	v63 =	vld [tilespmem:$0x0]  }
0x2b: {  	s9 =	simm.s32 $0x1F8;
	s10 =	simm.s32 $0xA840  }
0x2c: {  	[tilespmem:s10], [sflag:$0x1] =	stream.indirect.gather [hbm4b:s3+s8], $0x20, s9, s8, $0xb8;
	v63 =	vld [tilespmem:$0x0]  }
0x2d: {  	s11 =	simm.s32 $0x230;
	s31 =	simm.s32 $0xAE80  }
0x2e: {  	[tilespmem:s31], [sflag:$0x1] =	stream.indirect.gather [hbm4b:s3+s8], $0x20, s11, s8, $0xb8;
	v63 =	vld [tilespmem:$0x0]  }
0x2f: {  	s1 =	simm.s32 $0x268;
	s6 =	simm.s32 $0xB4C0  }
0x30: {  	[tilespmem:s6], [sflag:$0x1] =	stream.indirect.gather [hbm4b:s3+s8], $0x20, s1, s8, $0xb8;
	v63 =	vld [tilespmem:$0x0]  }
0x31: {  	s9 =	simm.s32 $0x2A0;
	s10 =	simm.s32 $0xBB00  }
0x32: {  	[tilespmem:s10], [sflag:$0x1] =	stream.indirect.gather [hbm4b:s3+s8], $0x20, s9, s8, $0xb8;
	v63 =	vld [tilespmem:$0x0]  }
0x33: {  	s11 =	simm.s32 $0x2D8;
	s31 =	simm.s32 $0xC140  }
0x34: {  	[tilespmem:s31], [sflag:$0x1] =	stream.indirect.gather [hbm4b:s3+s8], $0x20, s11, s8, $0xb8;
	v63 =	vld [tilespmem:$0x0]  }
0x35: {  	s1 =	simm.s32 $0x310;
	s6 =	simm.s32 $0xC780  }
0x36: {  	[tilespmem:s6], [sflag:$0x1] =	stream.indirect.gather [hbm4b:s3+s8], $0x20, s1, s8, $0xb8;
	v63 =	vld [tilespmem:$0x0]  }
0x37: {  	s9 =	simm.s32 $0x348;
	s10 =	simm.s32 $0xCDC0  }
0x38: {  	[tilespmem:s10], [sflag:$0x1] =	stream.indirect.gather [hbm4b:s3+s8], $0x20, s9, s8, $0xb8;
	v63 =	vld [tilespmem:$0x0]  }
0x39: {  	s11 =	simm.s32 $0x380;
	s31 =	simm.s32 $0xD400  }
0x3a: {  	[tilespmem:s31], [sflag:$0x1] =	stream.indirect.gather [hbm4b:s3+s8], $0x20, s11, s8, $0xb8;
	v63 =	vld [tilespmem:$0x0]  }
0x3b: {  	s1 =	simm.s32 $0x3B8;
	s6 =	simm.s32 $0xDA40  }
0x3c: {  	[tilespmem:s6], [sflag:$0x1] =	stream.indirect.gather [hbm4b:s3+s8], $0x20, s1, s8, $0xb8;
	v63 =	vld [tilespmem:$0x0]  }
0x3d: {  	s9 =	simm.s32 $0x3F0;
	s10 =	simm.s32 $0xE080  }
0x3e: {  	[tilespmem:s10], [sflag:$0x1] =	stream.indirect.gather [hbm4b:s3+s8], $0x20, s9, s8, $0xb8;
	v63 =	vld [tilespmem:$0x0]  }
0x3f: {  	s11 =	simm.s32 $0x428;
	s31 =	simm.s32 $0xE6C0  }
0x40: {  	[tilespmem:s31], [sflag:$0x1] =	stream.indirect.gather [hbm4b:s3+s8], $0x20, s11, s8, $0xb8;
	v63 =	vld [tilespmem:$0x0]  }
0x41: {  	s1 =	simm.s32 $0x460;
	s6 =	simm.s32 $0xED00  }
0x42: {  	[tilespmem:s6], [sflag:$0x1] =	stream.indirect.gather [hbm4b:s3+s8], $0x20, s1, s8, $0xb8;
	v63 =	vld [tilespmem:$0x0]  }
0x43: {  	s9 =	simm.s32 $0x498;
	s10 =	simm.s32 $0xF340  }
0x44: {  	[tilespmem:s10], [sflag:$0x1] =	stream.indirect.gather [hbm4b:s3+s8], $0x20, s9, s8, $0xb8;
	v63 =	vld [tilespmem:$0x0]  }
0x45: {  	s11 =	simm.s32 $0x4D0;
	s31 =	simm.s32 $0xF980  }
0x46: {  	[tilespmem:s31], [sflag:$0x1] =	stream.indirect.gather [hbm4b:s3+s8], $0x20, s11, s8, $0xb8;
	v63 =	vld [tilespmem:$0x0]  }
0x47: {  	s1 =	simm.s32 $0x508;
	s6 =	simm.s32 $0xFFC0  }
0x48: {  	[tilespmem:s6], [sflag:$0x1] =	stream.indirect.gather [hbm4b:s3+s8], $0x20, s1, s8, $0xb8;
	v63 =	vld [tilespmem:$0x0]  }
0x49: {  	s9 =	simm.s32 $0x540;
	s10 =	simm.s32 $0x10600  }
0x4a: {  	[tilespmem:s10], [sflag:$0x1] =	stream.indirect.gather [hbm4b:s3+s8], $0x20, s9, s8, $0xb8;
	v63 =	vld [tilespmem:$0x0]  }
0x4b: {  	s11 =	simm.s32 $0x578;
	s31 =	simm.s32 $0x10C40  }
0x4c: {  	[tilespmem:s31], [sflag:$0x1] =	stream.indirect.gather [hbm4b:s3+s8], $0x20, s11, s8, $0xb8;
	v63 =	vld [tilespmem:$0x0]  }
0x4d: {  	_ = 	snop  }
0x4e: {  	[tilespmem:s13], [sflag:$0x1] =	stream.indirect.gather [hbm4b:s3+s8], $0x20, s12, s8, $0xb8;
	v63 =	vld [tilespmem:$0x0]  }
0x4f: {  	_ = 	snop  }
0x50: {  	[tilespmem:s15], [sflag:$0x1] =	stream.indirect.gather [hbm4b:s3+s8], $0x20, s14, s8, $0xb8;
	v63 =	vld [tilespmem:$0x0]  }
0x51: {  	_ = 	snop  }
0x52: {  	[tilespmem:s17], [sflag:$0x1] =	stream.indirect.gather [hbm4b:s3+s8], $0x20, s16, s8, $0xb8;
	v63 =	vld [tilespmem:$0x0]  }
0x53: {  	_ = 	snop  }
0x54: {  	[tilespmem:s19], [sflag:$0x1] =	stream.indirect.gather [hbm4b:s3+s8], $0x20, s18, s8, $0xb8;
	v63 =	vld [tilespmem:$0x0]  }
.Ltmp2:
0x55: {  	_ = 	snop;
	(pc) =	sbr.rel .LBB2_2-.Ltmp2, $4  }
0x56: {  	_ = 	snop  }
0x57: {  	[tilespmem:s21], [sflag:$0x1] =	stream.indirect.gather [hbm4b:s3+s8], $0x20, s20, s8, $0xb8;
	v63 =	vld [tilespmem:$0x0]  }
0x58: {  	s28 =	simm.s32 $0x0;
	s30 =	simm.s32 $0x0;
	s6 =	smov.u32 s29  }
0x59: {  	[tilespmem:s23], [sflag:$0x1] =	stream.indirect.gather [hbm4b:s3+s8], $0x20, s22, s8, $0xb8;
	v63 =	vld [tilespmem:$0x0]  }
.LBB2_5:
0x5a: {  	s0 =	smul.u32 $0x32000, s9;
	_ =	sdelay $0x1  }
0x5b: {  	s1 =	sshrl.u32 s0, $0x2;
	s0 =	sshra.s32 s28, $0x2  }
0x5c: {  	s9 =	sadd.s32 $0x1, s9;
	s10 =	sadd.s32 $0x7000, s1;
	s11 =	sadd.s32 $0x700, s0  }
0x5d: {  	[tilespmem:s10], [sflag:s9] =	stream.indirect.gather [hbm4b:s3+s8], $0x20, s11, s8, $0xb8;
	v63 =	vld [tilespmem:$0x0]  }
0x5e: {  	s10 =	sadd.s32 $0x7640, s1;
	s11 =	sadd.s32 $0x738, s0  }
0x5f: {  	[tilespmem:s10], [sflag:s9] =	stream.indirect.gather [hbm4b:s3+s8], $0x20, s11, s8, $0xb8;
	v63 =	vld [tilespmem:$0x0]  }
0x60: {  	s10 =	sadd.s32 $0x7C80, s1;
	s11 =	sadd.s32 $0x770, s0  }
0x61: {  	[tilespmem:s10], [sflag:s9] =	stream.indirect.gather [hbm4b:s3+s8], $0x20, s11, s8, $0xb8;
	v63 =	vld [tilespmem:$0x0]  }
0x62: {  	s10 =	sadd.s32 $0x82C0, s1;
	s11 =	sadd.s32 $0x7A8, s0  }
0x63: {  	[tilespmem:s10], [sflag:s9] =	stream.indirect.gather [hbm4b:s3+s8], $0x20, s11, s8, $0xb8;
	v63 =	vld [tilespmem:$0x0]  }
0x64: {  	s10 =	sadd.s32 $0x8900, s1;
	s11 =	sadd.s32 $0x7E0, s0  }
0x65: {  	[tilespmem:s10], [sflag:s9] =	stream.indirect.gather [hbm4b:s3+s8], $0x20, s11, s8, $0xb8;
	v63 =	vld [tilespmem:$0x0]  }
0x66: {  	s10 =	sadd.s32 $0x8F40, s1;
	s11 =	sadd.s32 $0x818, s0  }
0x67: {  	[tilespmem:s10], [sflag:s9] =	stream.indirect.gather [hbm4b:s3+s8], $0x20, s11, s8, $0xb8;
	v63 =	vld [tilespmem:$0x0]  }
0x68: {  	s10 =	sadd.s32 $0x9580, s1;
	s11 =	sadd.s32 $0x850, s0  }
0x69: {  	[tilespmem:s10], [sflag:s9] =	stream.indirect.gather [hbm4b:s3+s8], $0x20, s11, s8, $0xb8;
	v63 =	vld [tilespmem:$0x0]  }
0x6a: {  	s10 =	sadd.s32 $0x9BC0, s1;
	s11 =	sadd.s32 $0x888, s0  }
0x6b: {  	[tilespmem:s10], [sflag:s9] =	stream.indirect.gather [hbm4b:s3+s8], $0x20, s11, s8, $0xb8;
	v63 =	vld [tilespmem:$0x0]  }
0x6c: {  	s10 =	sadd.s32 $0xA200, s1;
	s11 =	sadd.s32 $0x8C0, s0  }
0x6d: {  	[tilespmem:s10], [sflag:s9] =	stream.indirect.gather [hbm4b:s3+s8], $0x20, s11, s8, $0xb8;
	v63 =	vld [tilespmem:$0x0]  }
0x6e: {  	s10 =	sadd.s32 $0xA840, s1;
	s11 =	sadd.s32 $0x8F8, s0  }
0x6f: {  	[tilespmem:s10], [sflag:s9] =	stream.indirect.gather [hbm4b:s3+s8], $0x20, s11, s8, $0xb8;
	v63 =	vld [tilespmem:$0x0]  }
0x70: {  	s10 =	sadd.s32 $0xAE80, s1;
	s11 =	sadd.s32 $0x930, s0  }
0x71: {  	[tilespmem:s10], [sflag:s9] =	stream.indirect.gather [hbm4b:s3+s8], $0x20, s11, s8, $0xb8;
	v63 =	vld [tilespmem:$0x0]  }
0x72: {  	s10 =	sadd.s32 $0xB4C0, s1;
	s11 =	sadd.s32 $0x968, s0  }
0x73: {  	[tilespmem:s10], [sflag:s9] =	stream.indirect.gather [hbm4b:s3+s8], $0x20, s11, s8, $0xb8;
	v63 =	vld [tilespmem:$0x0]  }
0x74: {  	s10 =	sadd.s32 $0xBB00, s1;
	s11 =	sadd.s32 $0x9A0, s0  }
0x75: {  	[tilespmem:s10], [sflag:s9] =	stream.indirect.gather [hbm4b:s3+s8], $0x20, s11, s8, $0xb8;
	v63 =	vld [tilespmem:$0x0]  }
0x76: {  	s10 =	sadd.s32 $0xC140, s1;
	s11 =	sadd.s32 $0x9D8, s0  }
0x77: {  	[tilespmem:s10], [sflag:s9] =	stream.indirect.gather [hbm4b:s3+s8], $0x20, s11, s8, $0xb8;
	v63 =	vld [tilespmem:$0x0]  }
0x78: {  	s10 =	sadd.s32 $0xC780, s1;
	s11 =	sadd.s32 $0xA10, s0  }
0x79: {  	[tilespmem:s10], [sflag:s9] =	stream.indirect.gather [hbm4b:s3+s8], $0x20, s11, s8, $0xb8;
	v63 =	vld [tilespmem:$0x0]  }
0x7a: {  	s10 =	sadd.s32 $0xCDC0, s1;
	s11 =	sadd.s32 $0xA48, s0  }
0x7b: {  	[tilespmem:s10], [sflag:s9] =	stream.indirect.gather [hbm4b:s3+s8], $0x20, s11, s8, $0xb8;
	v63 =	vld [tilespmem:$0x0]  }
0x7c: {  	s10 =	sadd.s32 $0xD400, s1;
	s11 =	sadd.s32 $0xA80, s0  }
0x7d: {  	[tilespmem:s10], [sflag:s9] =	stream.indirect.gather [hbm4b:s3+s8], $0x20, s11, s8, $0xb8;
	v63 =	vld [tilespmem:$0x0]  }
0x7e: {  	s10 =	sadd.s32 $0xDA40, s1;
	s11 =	sadd.s32 $0xAB8, s0  }
0x7f: {  	[tilespmem:s10], [sflag:s9] =	stream.indirect.gather [hbm4b:s3+s8], $0x20, s11, s8, $0xb8;
	v63 =	vld [tilespmem:$0x0]  }
0x80: {  	s10 =	sadd.s32 $0xE080, s1;
	s11 =	sadd.s32 $0xAF0, s0  }
0x81: {  	[tilespmem:s10], [sflag:s9] =	stream.indirect.gather [hbm4b:s3+s8], $0x20, s11, s8, $0xb8;
	v63 =	vld [tilespmem:$0x0]  }
0x82: {  	s10 =	sadd.s32 $0xE6C0, s1;
	s11 =	sadd.s32 $0xB28, s0  }
0x83: {  	[tilespmem:s10], [sflag:s9] =	stream.indirect.gather [hbm4b:s3+s8], $0x20, s11, s8, $0xb8;
	v63 =	vld [tilespmem:$0x0]  }
0x84: {  	s10 =	sadd.s32 $0xED00, s1;
	s11 =	sadd.s32 $0xB60, s0  }
0x85: {  	[tilespmem:s10], [sflag:s9] =	stream.indirect.gather [hbm4b:s3+s8], $0x20, s11, s8, $0xb8;
	v63 =	vld [tilespmem:$0x0]  }
0x86: {  	s10 =	sadd.s32 $0xF340, s1;
	s11 =	sadd.s32 $0xB98, s0  }
0x87: {  	[tilespmem:s10], [sflag:s9] =	stream.indirect.gather [hbm4b:s3+s8], $0x20, s11, s8, $0xb8;
	v63 =	vld [tilespmem:$0x0]  }
0x88: {  	s10 =	sadd.s32 $0xF980, s1;
	s11 =	sadd.s32 $0xBD0, s0  }
0x89: {  	[tilespmem:s10], [sflag:s9] =	stream.indirect.gather [hbm4b:s3+s8], $0x20, s11, s8, $0xb8;
	v63 =	vld [tilespmem:$0x0]  }
0x8a: {  	s10 =	sadd.s32 $0xFFC0, s1;
	s11 =	sadd.s32 $0xC08, s0  }
0x8b: {  	[tilespmem:s10], [sflag:s9] =	stream.indirect.gather [hbm4b:s3+s8], $0x20, s11, s8, $0xb8;
	v63 =	vld [tilespmem:$0x0]  }
0x8c: {  	s10 =	sor.u32 $0x10600, s1;
	s11 =	sadd.s32 $0xC40, s0  }
0x8d: {  	[tilespmem:s10], [sflag:s9] =	stream.indirect.gather [hbm4b:s3+s8], $0x20, s11, s8, $0xb8;
	v63 =	vld [tilespmem:$0x0]  }
0x8e: {  	s10 =	sadd.s32 $0x10C40, s1;
	s11 =	sadd.s32 $0xC78, s0  }
0x8f: {  	[tilespmem:s10], [sflag:s9] =	stream.indirect.gather [hbm4b:s3+s8], $0x20, s11, s8, $0xb8;
	v63 =	vld [tilespmem:$0x0]  }
0x90: {  	s10 =	sadd.s32 $0x11280, s1;
	s11 =	sadd.s32 $0xCB0, s0  }
0x91: {  	[tilespmem:s10], [sflag:s9] =	stream.indirect.gather [hbm4b:s3+s8], $0x20, s11, s8, $0xb8;
	v63 =	vld [tilespmem:$0x0]  }
0x92: {  	s10 =	sadd.s32 $0x118C0, s1;
	s11 =	sadd.s32 $0xCE8, s0  }
0x93: {  	[tilespmem:s10], [sflag:s9] =	stream.indirect.gather [hbm4b:s3+s8], $0x20, s11, s8, $0xb8;
	v63 =	vld [tilespmem:$0x0]  }
0x94: {  	s10 =	sadd.s32 $0x11F00, s1;
	s11 =	sadd.s32 $0xD20, s0  }
0x95: {  	[tilespmem:s10], [sflag:s9] =	stream.indirect.gather [hbm4b:s3+s8], $0x20, s11, s8, $0xb8;
	v63 =	vld [tilespmem:$0x0]  }
0x96: {  	s10 =	sadd.s32 $0x12540, s1;
	s11 =	sadd.s32 $0xD58, s0  }
0x97: {  	[tilespmem:s10], [sflag:s9] =	stream.indirect.gather [hbm4b:s3+s8], $0x20, s11, s8, $0xb8;
	v63 =	vld [tilespmem:$0x0]  }
0x98: {  	s10 =	sadd.s32 $0x12B80, s1;
	s11 =	sadd.s32 $0xD90, s0  }
0x99: {  	[tilespmem:s10], [sflag:s9] =	stream.indirect.gather [hbm4b:s3+s8], $0x20, s11, s8, $0xb8;
	v63 =	vld [tilespmem:$0x0]  }
0x9a: {  	s1 =	sadd.s32 $0x131C0, s1;
	s0 =	sadd.s32 $0xDC8, s0  }
0x9b: {  	[tilespmem:s1], [sflag:s9] =	stream.indirect.gather [hbm4b:s3+s8], $0x20, s0, s8, $0xb8;
	v63 =	vld [tilespmem:$0x0]  }
.LBB2_6:
0x9c: {  	s28 =	sadd.s32 $0x1C00, s28  }
0x9d: {  	s0 =	sadd.s32 $0x1, s31;
	s1 =	smul.u32 $0x32000, s31;
	p0 =	sne.s32 s28, $0x1C000  }
.Ltmp3:
0x9e: {  	_ =	swait.ge [sflag:s0], $0xC800;
	(pc) =	sbr.rel @!p0 .LBB2_7-.Ltmp3, $4  }
0x9f: {  	[sflag:s0] =	ssyncset.done $0x0;
	s1 =	sshrl.u32 s1, $0x2  }
0xa0: {  	s31 =	sadd.s32 $0x3, s31;
	[sflag:s0] =	ssyncadd.s32 $0xFFFF3800;
	s1 =	sadd.s32 $0x7000, s1  }
0xa1: {  	[hbm4b:s6+s2] =	stream.linear.scatter [tilespmem:s1], [sflag:s31], $0xC800, $0x38;
	v63 =	vld [tilespmem:$0x0]  }
0xa2: {  	s30 =	sadd.s32 $0x1, s30;
	s6 =	sadd.s32 $0x1900, s6  }
.LBB2_2:
0xa3: {  	p0 =	seq.s32 s30, $0x0  }
.Ltmp4:
0xa4: {  	_ = 	snop;
	(pc) =	sbr.rel @p0 .LBB2_5-.Ltmp4, $3  }
0xa5: {  	_ =	sdelay $0x1  }
0xa6: {  	s31 =	sand.u32 $0x1, s30  }
0xa7: {  	s9 =	sxor.u32 $0x1, s31  }
0xa8: {  	p0 =	seq.s32 s30, $0xF  }
.Ltmp5:
0xa9: {  	_ = 	snop;
	(pc) =	sbr.rel @p0 .LBB2_6-.Ltmp5, $1  }
0xaa: {  	_ =	sdelay $0x3  }
.Ltmp6:
0xab: {  	(pc) =	sbr.rel .LBB2_5-.Ltmp6, $4  }
0xac: {  	s0 =	sadd.s32 $0x3, s9  }
0xad: {  	_ =	swait.ge [sflag:s0], $0xC800  }
0xae: {  	[sflag:s0] =	ssyncset.done $0x0  }
0xaf: {  	[sflag:s0] =	ssyncadd.s32 $0xFFFF3800  }
.LBB2_8:
0xb0: {  	_ =	sfence.sel $0x180000  }
0xb1: {  	[bflag:$0x0] =	sbarrier.arrive $0xFFFF  }
0xb2: {  	_ =	strace $0x90000047  }
0xb3: {  	s0 =	stileid.u32;
	[bflag:$0x2] =	sbarrier.arrive $0xFFFF  }
0xb4: {  	p0 =	sne.s32 s0, $0x0;
	s0 =	rddreg [dreg:$0x2]  }
0xb5: {  	s0 =	sadd.s32 @!p0 $0x100000, s0  }
0xb6: {  	[sflag:s0] =	ssyncadd.tile.s32 @!p0 $0x1;
	_ =	shalt  }
.Lfunc_end2:
_tile_overlayer_lowered:
.L_overlay_start_2:
0xb7: {  	(tag) =	ssettag $0x2  }
0xb8: {  	s0 =	rddreg [dreg:$0x0];
	s2 =	stileid.u32  }
0xb9: {  	s1 =	rddreg [dreg:$0x1];
	p0 =	sne.s32 s2, $0x0  }
0xba: {  	s3 =	rddreg [dreg:$0x2];
	[bflag:$0x3] =	sbarrier.arrive $0xFFFF;
	s2 =	simm.s32 @!p0 $0x1C05  }
0xbb: {  	[timem:s3], [sflag:s2] =	dma.local @!p0 [hbm:s0], s1  }
0xbc: {  	s0 =	simm.s32 @!p0 $0x5  }
0xbd: {  	_ =	swait.ge @!p0 [sflag:s0], s1  }
0xbe: {  	s1 =	ssub.s32 @!p0 $0x0, s1;
	[sflag:s0] =	ssyncset.done @!p0 $0x0  }
0xbf: {  	[sflag:s0] =	ssyncadd.s32 @!p0 s1  }
0xc0: {  	[bflag:$0x3] =	sbarrier.arrive $0xFFFF  }
0xc1: {  	_ =	shalt  }

// kernel: sparse-core-data-format-call.cloned.1.call-start
scs
called_computation_lowered:
.L_overlay_start_0:
0x0: {  	s2 =	sld [smem:$0x3FD9]  }
0x1: {  	s3 =	sld [smem:$0x3FFE];
	_ =	sdelay $0x1  }
0x2: {  	s1 =	srdreg.scid  }
0x3: {  	s0 =	sand.u32 $0x1, s1  }
0x4: {  	s18 =	sshll.u32 s0, $0xA;
	s2 =	sadd.s32 s3, s2  }
0x5: {  	s2 =	sadd.s32 s2, s18  }
0x6: {  	[smem:$0x3FC6] =	sst s2  }
0x7: {  	_ = 	snop  }
0x8: {  	s2 =	sld [smem:$0x3FD0];
	(tm) =	ssettm $0x1  }
0x9: {  	s19 =	sld [smem:$0x3FFB];
	_ =	sdelay $0x3  }
0xa: {  	_ =	strace s19  }
0xb: {  	s3 =	sld [smem:$0x3FFC];
	_ =	sdelay $0x3  }
0xc: {  	_ =	strace s3  }
0xd: {  	s3 =	sld [smem:$0x3FFD];
	_ =	sdelay $0x3  }
0xe: {  	_ =	strace s3  }
0xf: {  	_ =	strace $0x8FFFFFFF  }
0x10: {  	s20 =	sld [smem:$0x3FDB];
	_ =	sdelay $0x1  }
0x11: {  	s4 =	simm.s32 $_scs_section_size  }
0x12: {  	s5 =	simm.s32 $_size__tile_overlayer_lowered;
	s6 =	simm.s32 $_tile_overlayer_lowered  }
0x13: {  	s23 =	simm.s32 $0x1BFF;
	s22 =	sshll.u32 s6, $0x1;
	s3 =	sadd.s32 s4, s20  }
0x14: {  	s7 =	simm.s32 $0x0;
	s21 =	sshll.u32 s5, $0x1;
	s5 =	sadd.s32 s22, s3  }
0x15: {  	[timem:s7], [sflag:s23] =	dma.local [hbm:s5], s21  }
0x16: {  	_ =	swait.ge [sflag:s23], s21  }
0x17: {  	s4 =	ssub.s32 $0x0, s21;
	[sflag:s23] =	ssyncset.done $0x0  }
0x18: {  	[sflag:s23] =	ssyncadd.s32 s4;
	_ =	sdelay $0x1  }
0x19: {  	s24 =	simm.s32 $0x1B8B  }
0x1a: {  	_ =	swait.ge [sflag:s24], $0x1  }
0x1b: {  	[sflag:s24] =	ssyncset.done $0x0  }
0x1c: {  	s26 =	simm.s32 $0x1B8E;
	s25 =	sld [smem:$0x3FFE];
	[sflag:s24] =	ssyncadd.s32 $0xFFFFFFFF  }
0x1d: {  	s27 =	simm.s32 $execute0_lowered;
	[smem:$0x3FD2] =	sst s26  }
0x1e: {  	s5 =	sshll.u32 s27, $0x1;
	_ =	strace $0x80000049;
	[dreg:$0x1] =	wrdreg $0xFFFFFFFF  }
0x1f: {  	s28 =	simm.s32 $_size_execute0_lowered;
	s3 =	sadd.s32 s3, s5;
	[dreg:$0x0] =	wrdreg $0x0  }
0x20: {  	s5 =	sshll.u32 s28, $0x1;
	[dreg:$0x2] =	wrdreg s3  }
0x21: {  	[dreg:$0x3] =	wrdreg s5  }
0x22: {  	[dreg:$0x4] =	wrdreg $0xC0  }
0x23: {  	_ =	task [dreg:s7], $0x5FFFF  }
0x24: {  	[dreg:$0x1] =	wrdreg $0xFFFFFFFF  }
0x25: {  	[dreg:$0x0] =	wrdreg $0x60  }
0x26: {  	[dreg:$0x2] =	wrdreg s25  }
0x27: {  	[dreg:$0x3] =	wrdreg s2  }
0x28: {  	[dreg:$0x4] =	wrdreg $0x9  }
0x29: {  	_ =	task.clear_ibuf [dreg:s7], $0x5FFFF;
	_ =	strace $0x90000049  }
0x2a: {  	s29 =	simm.s32 $0x9;
	_ =	strace $0x8000004B  }
0x2b: {  	_ =	swait.ge [sflag:s29], $0x1  }
0x2c: {  	[sflag:s29] =	ssyncadd.s32 $0xFFFFFFFF  }
0x2d: {  	_ =	strace $0x9000004B  }
0x2e: {  	_ =	sfence  }
0x2f: {  	s30 =	sld [smem:$0x0];
	_ =	sdelay $0x2  }
0x30: {  	s31 =	sshll.u32 s1, $0xD;
	s1 =	sshrl.u32 s1, $0x2  }
0x31: {  	s3 =	sand.u32 $0x4000, s31;
	s1 =	sadd.s32 s1, s30  }
0x32: {  	s0 =	sor.u32 s3, s0;
	s1 =	sshll.u32 s1, $0x11  }
0x33: {  	s0 =	sor.u32 s1, s0  }
0x34: {  	s0 =	sadd.s32 $0x8F2B, s0  }
0x35: {  	[sflag:s0] =	ssyncadd.remote.s32 $0x1  }
0x36: {  	_ =	sfence.sel $0xFFFF  }
0x37: {  	[dreg:$0x0] =	wrdreg $0xFFFFFFFF;
	(pc) =	sbr.abs _section_cstart, $3  }
0x38: {  	[dreg:$0x1] =	wrdreg $0xFFFFFFFF  }
0x39: {  	_ =	task.clear_ibuf [dreg:s7], $0x2FFFF;
	_ =	strace $0x9FFFFFFF  }
0x3a: {  	(tm) =	ssettm $0x7FFFFFFF  }
0x3b: {  	_ =	shalt  }
tec
execute0_lowered:
.L_overlay_start_1:
0x0: {  	(tag) =	ssettag $0x1  }
0x1: {  	s0 =	srdreg.scid  }
0x2: {  	s1 =	sshll.u32 s0, $0x4  }
0x3: {  	s0 =	stileid.u32;
	s1 =	sand.u32 $0x10, s1  }
0x4: {  	s1 =	sor.u32 s0, s1  }
0x5: {  	s6 =	rddreg [dreg:$0x0];
	s4 =	simm.s32 $0x1;
	s2 =	sshll.u32 s1, $0x7  }
0x6: {  	s7 =	simm.s32 $0x2;
	s12 =	simm.s32 $0x0;
	s1 =	ssub.s32 $0x4000, s2  }
0x7: {  	s8 =	simm.s32 $0x20000;
	s13 =	simm.s32 $0x0;
	s3 =	sand.u32 $0xF80, s1  }
0x8: {  	s9 =	simm.s32 $0x0;
	s5 =	sshrl.u32 s1, $0xC;
	p0 =	sne.s32 s3, $0x0  }
.Ltmp0:
0x9: {  	s1 =	rddreg [dreg:$0x2];
	s4 =	simm.s32 @!p0 $0x0;
	(pc) =	sbr.rel .LBB1_1-.Ltmp0, $4  }
0xa: {  	s11 =	simm.s32 $0x0;
	s3 =	rddreg [dreg:$0x1];
	s5 =	sadd.s32 s4, s5  }
0xb: {  	_ =	strace $0x8000004A;
	s4 =	simm.s32 $0x1;
	s5 =	smul.u32 $0x32, s5  }
0xc: {  	s6 =	sadd.s32 $0xA00, s6;
	s10 =	smov.u32 s2;
	[sflag:s4] =	ssyncpa.u1 $0x0  }
0xd: {  	p0 =	por $0x0, $0x0;
	[sflag:s7] =	ssyncpa.u1 $0x0;
	s7 =	sor.u32 $0x1, s5  }
.LBB1_4:
0xe: {  	s16 =	sshll.u32 s13, $0x3;
	s17 =	sand.u32 $0x78, s13  }
0xf: {  	s30 =	sand.u32 $0xF800, s13;
	s12 =	sshll.u32 s12, $0x10;
	s16 =	sand.u32 $0x3C00, s16  }
0x10: {  	s31 =	sand.u32 $0x7, s13;
	s16 =	sor.u32 s17, s16;
	s17 =	sadd.s32 s3, s30  }
0x11: {  	s13 =	sshll.u32 s31, $0x12;
	s16 =	sshrl.u32 s16, $0x3;
	s12 =	sadd.s32 s12, s17  }
0x12: {  	[tilespmem:s15+$0x0 ss:$0x81] =	vst.msk $0xffff, v0;
	s13 =	sor.u32 $0x400, s13;
	s12 =	sadd.s32 s16, s12  }
0x13: {  	[hbm4b:s12+s13] =	stream.strided.scatter [tilespmem:s14], [sflag:$0x2], $0x1000, s8, s13, $0x20;
	[tilespmem:$0x4040] =	vst v63  }
.LBB1_5:
0x14: {  	s14 =	sadd.s32 $0x1, s9  }
0x15: {  	s12 =	sadd.s32 $0x1000, s10;
	s16 =	smov.u32 s10;
	p2 =	sgt.s32 s14, $0x31  }
0x16: {  	s16 =	smov.u32 @p2 s12  }
0x17: {  	s14 =	simm.s32 @p2 $0x0;
	p2 =	sgt.s32 s16, $0x3FFF  }
0x18: {  	s16 =	smov.u32 @p2 s2;
	p2 =	sne.s32 s11, s7  }
.Ltmp1:
0x19: {  	p1 =	slt.u32 s11, $0x2;
	(pc) =	sbr.rel @!p2 .LBB1_6-.Ltmp1, $4  }
0x1a: {  	s15 =	simm.s32 @!p1 $0x2  }
0x1b: {  	s13 =	smov.u32 s10;
	p0 =	por !p0, !p0;
	_ =	swait.ge @!p1 [sflag:s15], $0x1000  }
0x1c: {  	s12 =	smov.u32 s9;
	[sflag:s15] =	ssyncset.done @!p1 $0x0;
	s9 =	smov.u32 s14  }
0x1d: {  	s11 =	sadd.s32 $0x1, s11;
	[sflag:s15] =	ssyncadd.s32 @!p1 $0xFFFFF000;
	s10 =	smov.u32 s16  }
.LBB1_1:
0x1e: {  	p1 =	sge.u32 s11, s5  }
0x1f: {  	s14 =	sand.u32 @!p1 $0x1FFFFFF, s9  }
0x20: {  	s15 =	smulhi.u32 @!p1 $0x4924925, s14;
	_ =	sdelay $0x1  }
0x21: {  	s15 =	smul.u32 @!p1 $0x38, s15  }
0x22: {  	s16 =	sxor.u32 @!p1 $0xFFFFFFFF, s11;
	s17 =	smul.u32 @!p1 $0x380, s10  }
0x23: {  	s31 =	sadd.s32 $0xFFFFFFFF, s11;
	s16 =	sshll.u32 @!p1 s16, $0xC;
	s14 =	ssub.s32 @!p1 s14, s15  }
0x24: {  	s15 =	sand.u32 @!p1 $0x1000, s16;
	s16 =	sadd.s32 @!p1 s6, s17;
	s14 =	sshll.u32 @!p1 s14, $0x4  }
0x25: {  	s17 =	simm.s32 @!p1 $0x1C00;
	s14 =	sadd.s32 @!p1 s14, s16;
	s16 =	simm.s32 @!p1 $0x20  }
0x26: {  	[tilespmem:s15], [sflag:$0x1] =	stream.strided.gather @!p1 [hbm4b:s14+s16], $0x1000, s17, s16, $0x38;
	[tilespmem:$0x4040] =	vst v63  }
0x27: {  	p1 =	sge.u32 s31, s5  }
.Ltmp2:
0x28: {  	_ = 	snop;
	(pc) =	sbr.rel @p1 .LBB1_5-.Ltmp2, $1  }
0x29: {  	_ =	sdelay $0x3  }
0x2a: {  	s14 =	simm.s32 $0x1  }
0x2b: {  	_ =	swait.ge [sflag:s4], $0x1000;
	s14 =	simm.s32 @!p0 $0x0  }
0x2c: {  	[sflag:s4] =	ssyncset.done $0x0;
	s15 =	sshll.u32 s14, $0xC  }
0x2d: {  	[sflag:s4] =	ssyncadd.s32 $0xFFFFF000;
	s18 =	sor.u32 $0x10, s15  }
0x2e: {  	s14 =	smul.u32 $0x4080, s14;
	v1 =	vld [tilespmem:s18+$0x0]  }
0x2f: {  	s30 =	sand.u32 $0x1, s11;
	v0 =	vld [tilespmem:s18+$0xFFFFFFF0]  }
0x30: {  	s15 =	smul.u32 $0x4080, s30;
	s14 =	sshrl.u32 s14, $0x2  }
0x31: {  	s16 =	sor.u32 $0x2000, s14  }
0x32: {  	s31 =	sshrl.u32 s15, $0x2;
	s15 =	sadd.s32 $0x0, s16  }
0x33: {  	s17 =	simm.s32 $0x4;
	s18 =	sadd.s32 $0x20, s18;
	s14 =	sor.u32 $0x2000, s31;
	[tilespmem:s15+$0x810 ss:$0x81] =	vst.msk $0xffff, v1  }
.LBB1_3:
0x34: {  	v1 =	vld [tilespmem:s18+$0x0];
	p1 =	sne.s32 s17, $0x1FC;
	[tilespmem:s15+$0x0 ss:$0x81] =	vst.msk $0xffff, v0;
	s15 =	smov.u32 s17;
	s17 =	sadd.s32 $0x4, s17  }
.Ltmp3:
0x35: {  	v0 =	vld [tilespmem:s18+$0xFFFFFFF0];
	(pc) =	sbr.rel @p1 .LBB1_3-.Ltmp3, $4  }
0x36: {  	_ = 	snop  }
0x37: {  	s15 =	sshra.s32 s15, $0x2  }
0x38: {  	s15 =	sadd.s32 s15, s16  }
0x39: {  	s18 =	sadd.s32 $0x20, s18;
	[tilespmem:s15+$0x810 ss:$0x81] =	vst.msk $0xffff, v1  }
.Ltmp4:
0x3a: {  	_ = 	snop;
	(pc) =	sbr.rel .LBB1_4-.Ltmp4, $1  }
0x3b: {  	_ =	sdelay $0x3  }
.LBB1_6:
0x3c: {  	_ =	sfence.sel $0x180000  }
0x3d: {  	s2 =	simm.s32 $0x1;
	[bflag:$0x0] =	sbarrier.arrive $0xFFFF  }
0x3e: {  	s31 =	simm.s32 $0x2;
	[sflag:s2] =	ssyncpa.u1 $0x1  }
0x3f: {  	[sflag:s31] =	ssyncpa.u1 $0x1  }
0x40: {  	p0 =	sne.s32 s0, $0x0;
	_ =	strace $0x9000004A  }
0x41: {  	s0 =	sadd.s32 @!p0 $0x100000, s1;
	[bflag:$0x2] =	sbarrier.arrive $0xFFFF  }
0x42: {  	[sflag:s0] =	ssyncadd.tile.s32 @!p0 $0x1;
	_ =	shalt  }
.Lfunc_end1:
_tile_overlayer_lowered:
.L_overlay_start_2:
0x43: {  	(tag) =	ssettag $0x2  }
0x44: {  	s0 =	rddreg [dreg:$0x0];
	s2 =	stileid.u32  }
0x45: {  	s1 =	rddreg [dreg:$0x1];
	p0 =	sne.s32 s2, $0x0  }
0x46: {  	s3 =	rddreg [dreg:$0x2];
	[bflag:$0x3] =	sbarrier.arrive $0xFFFF;
	s2 =	simm.s32 @!p0 $0x1C01  }
0x47: {  	[timem:s3], [sflag:s2] =	dma.local @!p0 [hbm:s0], s1  }
0x48: {  	s0 =	simm.s32 @!p0 $0x1  }
0x49: {  	_ =	swait.ge @!p0 [sflag:s0], s1  }
0x4a: {  	s1 =	ssub.s32 @!p0 $0x0, s1;
	[sflag:s0] =	ssyncset.done @!p0 $0x0  }
0x4b: {  	[sflag:s0] =	ssyncadd.s32 @!p0 s1  }
0x4c: {  	[bflag:$0x3] =	sbarrier.arrive $0xFFFF  }
0x4d: {  	_ =	shalt  }

</sc_bundles>
